<compile_context>
chip_gen: v7x
topology: tpu7x:2x2x1
jax: 0.10.2.dev20260603
libtpu: 0.0.44.dev20260713+nightly
codegen_flags: <defaults>
</compile_context>

<pallas_src>
import jax
import jax.numpy as jnp
from jax.experimental import pallas as pl
from jax.experimental.pallas import tpu as pltpu
from jax.experimental.pallas import tpu_sc as plsc
from jax import lax
import functools

_NUM_CLASSES = 1000
_CPAD = 1024
_D = 128
_BATCH = 16384
_BB = 512
_NB = _BATCH // _BB
_LAMBDA_ATTR = 0.1
_LAMBDA_REPL = 0.2
_MARGIN = 0.1


_NC = 2
_NS = 16
_NW = _NC * _NS
_BW = _BATCH // _NW


_KCH = 4
_BCH = _BW // _KCH


def _sc_seg_body(f_hbm, lab2d_hbm, zseg_hbm,
                 seg_out, idx_v, rows_v, sh_seg):
    c = lax.axis_index("c")
    s = lax.axis_index("s")
    wid = s * _NC + c
    base = wid * _BW
    pltpu.sync_copy(lab2d_hbm.at[pl.ds(wid * _KCH, _KCH)], idx_v)

    @pl.when(s == 0)
    def _zero():
        pltpu.sync_copy(zseg_hbm, sh_seg)

    plsc.subcore_barrier()
    for k in range(_KCH):
        pltpu.sync_copy(f_hbm.at[pl.ds(base + k * _BCH, _BCH)], rows_v)
        pltpu.sync_copy(rows_v, sh_seg.at[idx_v.at[k]], add=True)
    plsc.subcore_barrier()

    @pl.when(s == 0)
    def _publish():
        pltpu.sync_copy(sh_seg, seg_out.at[c])


def _sc_seg(features, labels_1d):
    f32 = jnp.float32
    run = functools.partial(
        pl.kernel,
        out_type=jax.ShapeDtypeStruct((_NC, _CPAD, _D), f32),
        mesh=plsc.VectorSubcoreMesh(core_axis_name="c", subcore_axis_name="s"),
        scratch_types=[
            pltpu.VMEM((_KCH, _BCH), jnp.int32),
            pltpu.VMEM((_BCH, _D), f32),
            pltpu.VMEM_SHARED((_CPAD, _D), f32),
        ],
    )(_sc_seg_body)
    return run(features, labels_1d.reshape(_NW * _KCH, _BCH),
               jnp.zeros((_CPAD, _D), f32))


def _k1_body(logits_ref, lab_ref, ce_ref, cnt_ref, ce_acc):
    i = pl.program_id(0)

    @pl.when(i == 0)
    def _init():
        ce_acc[...] = jnp.zeros_like(ce_acc)
        cnt_ref[...] = jnp.zeros_like(cnt_ref)

    lbl = lab_ref[...]
    x = logits_ref[...]

    s = jnp.sum(jnp.exp(x), axis=1, keepdims=True)
    lse = jnp.log(s)
    mask_c = jax.lax.broadcasted_iota(jnp.int32, (_BB, _NUM_CLASSES), 1) == lbl
    xl = jnp.sum(jnp.where(mask_c, x, 0.0), axis=1, keepdims=True)
    ce_acc[...] += lse - xl
    onehot = (jax.lax.broadcasted_iota(jnp.int32, (_BB, _CPAD), 1) == lbl
              ).astype(jnp.float32)
    ones = jnp.ones((_BB, 1), jnp.float32)
    cnt_ref[...] += jax.lax.dot_general(
        ones, onehot, (((0,), (0,)), ((), ())),
        preferred_element_type=jnp.float32)

    @pl.when(i == _NB - 1)
    def _fin():
        ce_ref[...] = jnp.sum(ce_acc[...]).reshape(1, 1)


def _k23_body(seg_ref, cnt_ref, cpad_ref, rpad_ref, ce_ref, f_ref, lab_ref,
              total_ref, ce_o_ref, attr_ref, repl_ref, rmean_ref,
              newc_ref, newr_ref, dist_ref, dseg_ref, dsq_acc, repl_acc,
              cntrow_ref):
    i = pl.program_id(0)

    @pl.when(i == 0)
    def _init():
        cntrow_ref[...] = cnt_ref[...]
        cnt = cnt_ref[...].reshape(_CPAD, 1)
        present = cnt > 0.0
        seg = seg_ref[0] + seg_ref[1]
        means = seg / jnp.maximum(cnt, 1.0)
        cpad = cpad_ref[...]
        newc_ref[...] = jnp.where(present, 0.9 * cpad + 0.1 * means, cpad)
        dseg_ref[...] = jnp.zeros_like(dseg_ref)
        dsq_acc[...] = jnp.zeros_like(dsq_acc)
        repl_acc[...] = jnp.zeros_like(repl_acc)

    lbl = lab_ref[...]
    onehot = (jax.lax.broadcasted_iota(jnp.int32, (_BB, _CPAD), 1) == lbl
              ).astype(jnp.float32)

    @pl.when(i < _NB)
    def _phase_a():
        gc = jax.lax.dot_general(
            onehot.astype(jnp.bfloat16), newc_ref[...].astype(jnp.bfloat16),
            (((1,), (0,)), ((), ())),
            preferred_element_type=jnp.float32)
        diff = f_ref[...] - gc
        d2 = jnp.sum(diff * diff, axis=1, keepdims=True)
        dist = jnp.sqrt(d2)
        dist_ref[pl.ds(i * _BB, _BB), :] = dist
        dseg_ref[...] += jax.lax.dot_general(
            dist, onehot, (((0,), (0,)), ((), ())),
            preferred_element_type=jnp.float32)
        dsq_acc[...] += d2

    @pl.when(i == _NB)
    def _radius():
        cnt = cntrow_ref[...]
        present = cnt > 0.0
        mean_d = dseg_ref[...] / jnp.maximum(cnt, 1.0)
        rpad = rpad_ref[...]
        newr = jnp.where(present, 0.9 * rpad + 0.1 * mean_d, rpad)
        newr_ref[...] = newr.reshape(_CPAD, 1)
        lane = jax.lax.broadcasted_iota(jnp.int32, (1, _CPAD), 1)
        rmean_ref[...] = (jnp.sum(
            jnp.where(lane < _NUM_CLASSES, newr, 0.0)) / _NUM_CLASSES
        ).reshape(1, 1)

    @pl.when(i >= _NB)
    def _phase_b():
        ib = i - _NB
        r = jax.lax.dot_general(
            onehot, newr_ref[...], (((1,), (0,)), ((), ())),
            preferred_element_type=jnp.float32) + _MARGIN
        excess = jnp.maximum(dist_ref[pl.ds(ib * _BB, _BB), :] - r, 0.0)
        repl_acc[...] += excess * excess

    @pl.when(i == 2 * _NB - 1)
    def _final():
        inv_n = 1.0 / _BATCH
        ce = ce_ref[...] * inv_n
        l_attr = jnp.sum(dsq_acc[...]).reshape(1, 1) * inv_n
        l_repl = jnp.sum(repl_acc[...]).reshape(1, 1) * inv_n
        ce_o_ref[...] = ce
        attr_ref[...] = l_attr
        repl_ref[...] = l_repl
        total_ref[...] = ce + _LAMBDA_ATTR * l_attr + _LAMBDA_REPL * l_repl


def _run(features, logits, labels, centers, radii, interpret=False):
    lab2 = labels.astype(jnp.int32).reshape(_BATCH, 1)
    cpad = jnp.pad(centers, ((0, _CPAD - _NUM_CLASSES), (0, 0)))
    rpad = jnp.pad(radii, (0, _CPAD - _NUM_CLASSES)).reshape(1, _CPAD)

    f32 = jnp.float32
    seg2 = _sc_seg(features, labels.astype(jnp.int32))
    ce_sum, cnt = pl.pallas_call(
        _k1_body,
        grid=(_NB,),
        in_specs=[
            pl.BlockSpec((_BB, _NUM_CLASSES), lambda i: (i, 0)),
            pl.BlockSpec((_BB, 1), lambda i: (i, 0)),
        ],
        out_specs=[
            pl.BlockSpec((1, 1), lambda i: (0, 0)),
            pl.BlockSpec((1, _CPAD), lambda i: (0, 0)),
        ],
        out_shape=[
            jax.ShapeDtypeStruct((1, 1), f32),
            jax.ShapeDtypeStruct((1, _CPAD), f32),
        ],
        scratch_shapes=[pltpu.VMEM((_BB, 1), f32)],
        interpret=interpret,
    )(logits, lab2)

    nb = _NB
    total, ce, l_attr, l_repl, rmean = pl.pallas_call(
        _k23_body,
        grid=(2 * _NB,),
        in_specs=[
            pl.BlockSpec((_NC, _CPAD, _D), lambda i: (0, 0, 0)),
            pl.BlockSpec((1, _CPAD), lambda i: (0, 0)),
            pl.BlockSpec((_CPAD, _D), lambda i: (0, 0)),
            pl.BlockSpec((1, _CPAD), lambda i: (0, 0)),
            pl.BlockSpec((1, 1), lambda i: (0, 0)),
            pl.BlockSpec((_BB, _D), lambda i: (jnp.minimum(i, nb - 1), 0)),
            pl.BlockSpec((_BB, 1), lambda i: (i % nb, 0)),
        ],
        out_specs=[pl.BlockSpec((1, 1), lambda i: (0, 0))] * 5,
        out_shape=[jax.ShapeDtypeStruct((1, 1), f32)] * 5,
        scratch_shapes=[
            pltpu.VMEM((_CPAD, _D), f32),
            pltpu.VMEM((_CPAD, 1), f32),
            pltpu.VMEM((_BATCH, 1), f32),
            pltpu.VMEM((1, _CPAD), f32),
            pltpu.VMEM((_BB, 1), f32),
            pltpu.VMEM((_BB, 1), f32),
            pltpu.VMEM((1, _CPAD), f32),
        ],
        interpret=interpret,
    )(seg2, cnt, cpad, rpad, ce_sum, features, lab2)

    return (total[0, 0], ce[0, 0], l_attr[0, 0], l_repl[0, 0], rmean[0, 0])


def kernel(features, logits, labels, centers, radii):
    return _run(features, logits, labels, centers, radii)

# --- scband reference (transcript-rebuilt; emitter-appended) ---
"""Pipeline reference for scband-osamloss-9947144257898 (READ-ONLY COPY).

The authoritative reference and input builder live on the scoring server;
editing this copy changes nothing except your own understanding.
"""

import jax, jax.numpy as jnp
import numpy as np

NUM_CLASSES = 1000
FEATURE_DIM = 128
BATCH = 16384
LAMBDA_ATTR = 0.1
LAMBDA_REPL = 0.2
MARGIN = 0.1


def setup_inputs(seed: int = 0) -> dict:
    key = jax.random.key(seed)
    k1, k2, k3 = jax.random.split(key, 3)
    features = jax.random.normal(k1, (BATCH, FEATURE_DIM), dtype=jnp.float32)
    logits = jax.random.normal(k2, (BATCH, NUM_CLASSES), dtype=jnp.float32)
    labels = jax.random.randint(k3, (BATCH,), 0, NUM_CLASSES)
    centers = jnp.zeros((NUM_CLASSES, FEATURE_DIM), dtype=jnp.float32)
    radii = jnp.ones((NUM_CLASSES,), dtype=jnp.float32)
    return {"features": features, "logits": logits, "labels": labels,
            "centers": centers, "radii": radii}


def _update_buffers(features, labels, centers, radii):
    # Vectorized equivalent of the per-unique-label EMA update (training mode).
    counts = jnp.bincount(labels, length=NUM_CLASSES).astype(jnp.float32)
    present = counts > 0
    sums = jax.ops.segment_sum(features, labels, num_segments=NUM_CLASSES)
    means = sums / jnp.maximum(counts, 1.0)[:, None]
    new_centers = jnp.where(present[:, None], 0.9 * centers + 0.1 * means, centers)
    # distances computed against the UPDATED center (matches torch loop order)
    dists = jnp.linalg.norm(features - new_centers[labels], axis=1)
    dist_sums = jax.ops.segment_sum(dists, labels, num_segments=NUM_CLASSES)
    mean_dists = dist_sums / jnp.maximum(counts, 1.0)
    new_radii = jnp.where(present, 0.9 * radii + 0.1 * mean_dists, radii)
    return new_centers, new_radii


def reference(features, logits, labels, centers, radii):
    # cross entropy
    logp = jax.nn.log_softmax(logits, axis=-1)
    ce = -jnp.take_along_axis(logp, labels[:, None], axis=1).squeeze(1).mean()
    # buffer updates happen under no_grad in torch -> stop_gradient here
    new_centers, new_radii = _update_buffers(features, labels, centers, radii)
    new_centers = jax.lax.stop_gradient(new_centers)
    new_radii = jax.lax.stop_gradient(new_radii)
    centers_exp = new_centers[labels]
    dist = jnp.linalg.norm(features - centers_exp, axis=1)
    L_attr = (dist ** 2).mean()
    R = new_radii[labels] + MARGIN
    excess = jnp.maximum(dist - R, 0.0)
    L_repl = (excess ** 2).mean()
    total_loss = ce + LAMBDA_ATTR * L_attr + LAMBDA_REPL * L_repl
    return (total_loss, ce, L_attr, L_repl, new_radii.mean())

if __name__ == "__main__":
    import jax
    _d = setup_inputs()
    print(jax.jit(kernel)(*tuple(_d.values())))

</pallas_src>

<mosaic_0001>
#map = affine_map<(d0, d1) -> (0, 0)>
#map1 = affine_map<(d0, d1) -> (0, 0, 0)>
module attributes {stable_mosaic.version = 14 : i64} {
  func.func @_sc_seg_body(%arg0: i32, %arg1: i32, %arg2: memref<16384x128xf32, #tpu.memory_space<hbm>>, %arg3: memref<128x128xi32, #tpu.memory_space<hbm>>, %arg4: memref<1024x128xf32, #tpu.memory_space<hbm>>, %arg5: memref<2x1024x128xf32, #tpu.memory_space<hbm>>, %arg6: memref<4x128xi32, #tpu.memory_space<vmem>>, %arg7: memref<128x128xf32, #tpu.memory_space<vmem>>, %arg8: memref<1024x128xf32, #tpu.memory_space<vmem_shared>>) attributes {dimension_semantics = [#tpu.dimension_semantics<core_parallel>, #tpu.dimension_semantics<subcore_parallel>], iteration_bounds = array<i64: 2, 16>, scalar_prefetch = 0 : i64, scratch_operands = 3 : i64, tpu.core_type = #tpu.core_type<sc_vector_subcore>, window_params = [{transform_indices = #map}, {transform_indices = #map}, {transform_indices = #map}, {transform_indices = #map1}]} {
    %mul3A = arith.constant 2 : i32
    %mul3A_0 = arith.muli %arg1, %mul3A : i32
    %add3A = arith.addi %mul3A_0, %arg0 : i32
    %mul3A_1 = arith.constant 512 : i32
    %mul3A_2 = arith.muli %add3A, %mul3A_1 : i32
    %mul3A_3 = arith.constant 4 : i32
    %mul3A_4 = arith.muli %add3A, %mul3A_3 : i32
    "tpu.region"() ({
      %run_scoped3A_24 = tpu.sem_alloc : memref<!tpu.dma_semaphore, #tpu.memory_space<semaphore_mem>>
      %dma_start3A = arith.constant 0 : i32
      %dma_start3A_25 = tpu.memref_slice %arg3[%mul3A_4, %dma_start3A] : memref<128x128xi32, #tpu.memory_space<hbm>> -> memref<4x128xi32, #tpu.memory_space<hbm>>
      %dma_start3A_26 = arith.constant 0 : i32
      %dma_start3A_27 = tpu.memref_slice %arg3[%mul3A_4, %dma_start3A_26] : memref<128x128xi32, #tpu.memory_space<hbm>> -> memref<4x128xi32, #tpu.memory_space<hbm>>
      tpu.enqueue_dma source(%dma_start3A_27 : memref<4x128xi32, #tpu.memory_space<hbm>>) target(%arg6 : memref<4x128xi32, #tpu.memory_space<vmem>>) target_semaphore(%run_scoped3A_24 : memref<!tpu.dma_semaphore, #tpu.memory_space<semaphore_mem>>)
      %dma_wait3A = arith.constant 0 : i32
      %dma_wait3A_28 = tpu.memref_slice %arg3[%mul3A_4, %dma_wait3A] : memref<128x128xi32, #tpu.memory_space<hbm>> -> memref<4x128xi32, #tpu.memory_space<hbm>>
      %dma_wait3A_29 = arith.constant 0 : i32
      %dma_wait3A_30 = tpu.memref_slice %arg3[%mul3A_4, %dma_wait3A_29] : memref<128x128xi32, #tpu.memory_space<hbm>> -> memref<4x128xi32, #tpu.memory_space<hbm>>
      tpu.wait_dma2 semaphore(%run_scoped3A_24 : memref<!tpu.dma_semaphore, #tpu.memory_space<semaphore_mem>>) src(%dma_wait3A_30 : memref<4x128xi32, #tpu.memory_space<hbm>>) dst(%arg6 : memref<4x128xi32, #tpu.memory_space<vmem>>)
      tpu.yield
    }) : () -> ()
    %eq3A = arith.constant 0 : i32
    %eq3A_5 = arith.cmpi eq, %arg1, %eq3A : i32
    %convert_element_type3A = arith.extui %eq3A_5 : i1 to i32
    %cond3A = arith.constant 0 : i32
    %cond3A_6 = arith.cmpi ne, %convert_element_type3A, %cond3A : i32
    scf.if %cond3A_6 {
      "tpu.region"() ({
        %run_scoped3A_24 = tpu.sem_alloc : memref<!tpu.dma_semaphore, #tpu.memory_space<semaphore_mem>>
        tpu.enqueue_dma source(%arg4 : memref<1024x128xf32, #tpu.memory_space<hbm>>) target(%arg8 : memref<1024x128xf32, #tpu.memory_space<vmem_shared>>) target_semaphore(%run_scoped3A_24 : memref<!tpu.dma_semaphore, #tpu.memory_space<semaphore_mem>>)
        tpu.wait_dma2 semaphore(%run_scoped3A_24 : memref<!tpu.dma_semaphore, #tpu.memory_space<semaphore_mem>>) src(%arg4 : memref<1024x128xf32, #tpu.memory_space<hbm>>) dst(%arg8 : memref<1024x128xf32, #tpu.memory_space<vmem_shared>>)
        tpu.yield
      }) : () -> ()
    } else {
    }
    %barrier3A = arith.constant 0 : index
    tpu.barrier barrier_id(%barrier3A)
    %add3A_7 = arith.constant 0 : i32
    %add3A_8 = arith.addi %mul3A_2, %add3A_7 : i32
    "tpu.region"() ({
      %run_scoped3A_24 = tpu.sem_alloc : memref<!tpu.dma_semaphore, #tpu.memory_space<semaphore_mem>>
      %dma_start3A = arith.constant 0 : i32
      %dma_start3A_25 = tpu.memref_slice %arg2[%add3A_8, %dma_start3A] : memref<16384x128xf32, #tpu.memory_space<hbm>> -> memref<128x128xf32, #tpu.memory_space<hbm>>
      %dma_start3A_26 = arith.constant 0 : i32
      %dma_start3A_27 = tpu.memref_slice %arg2[%add3A_8, %dma_start3A_26] : memref<16384x128xf32, #tpu.memory_space<hbm>> -> memref<128x128xf32, #tpu.memory_space<hbm>>
      tpu.enqueue_dma source(%dma_start3A_27 : memref<128x128xf32, #tpu.memory_space<hbm>>) target(%arg7 : memref<128x128xf32, #tpu.memory_space<vmem>>) target_semaphore(%run_scoped3A_24 : memref<!tpu.dma_semaphore, #tpu.memory_space<semaphore_mem>>)
      %dma_wait3A = arith.constant 0 : i32
      %dma_wait3A_28 = tpu.memref_slice %arg2[%add3A_8, %dma_wait3A] : memref<16384x128xf32, #tpu.memory_space<hbm>> -> memref<128x128xf32, #tpu.memory_space<hbm>>
      %dma_wait3A_29 = arith.constant 0 : i32
      %dma_wait3A_30 = tpu.memref_slice %arg2[%add3A_8, %dma_wait3A_29] : memref<16384x128xf32, #tpu.memory_space<hbm>> -> memref<128x128xf32, #tpu.memory_space<hbm>>
      tpu.wait_dma2 semaphore(%run_scoped3A_24 : memref<!tpu.dma_semaphore, #tpu.memory_space<semaphore_mem>>) src(%dma_wait3A_30 : memref<128x128xf32, #tpu.memory_space<hbm>>) dst(%arg7 : memref<128x128xf32, #tpu.memory_space<vmem>>)
      tpu.yield
    }) : () -> ()
    %run_scoped3A = arith.constant 0 : i32
    "tpu.region"() ({
      %run_scoped3A_24 = tpu.sem_alloc : memref<!tpu.dma_semaphore, #tpu.memory_space<semaphore_mem>>
      %dma_start3A = arith.constant 0 : i32
      %dma_start3A_25 = tpu.memref_slice %arg6[%run_scoped3A, %dma_start3A] : memref<4x128xi32, #tpu.memory_space<vmem>> -> memref<1x128xi32, #tpu.memory_space<vmem>>
      %dma_start3A_26 = tpu.memref_squeeze %dma_start3A_25 : memref<1x128xi32, #tpu.memory_space<vmem>> -> memref<128xi32, #tpu.memory_space<vmem>>
      %dma_start3A_27 = arith.constant 0 : i32
      %dma_start3A_28 = arith.constant 0 : i32
      %dma_start3A_29 = tpu.memref_slice %arg8[%dma_start3A_27, %dma_start3A_28] : memref<1024x128xf32, #tpu.memory_space<vmem_shared>> -> memref<1024x128xf32, #tpu.memory_space<vmem_shared>>
      tpu.enqueue_indirect_dma source(%arg7 : memref<128x128xf32, #tpu.memory_space<vmem>>) target(%dma_start3A_29 : memref<1024x128xf32, #tpu.memory_space<vmem_shared>>) offsets(%dma_start3A_26 : memref<128xi32, #tpu.memory_space<vmem>>) semaphore(%run_scoped3A_24 : memref<!tpu.dma_semaphore, #tpu.memory_space<semaphore_mem>>) {add = true}
      %dma_wait3A = arith.constant 0 : i32
      %dma_wait3A_30 = tpu.memref_slice %arg6[%run_scoped3A, %dma_wait3A] : memref<4x128xi32, #tpu.memory_space<vmem>> -> memref<1x128xi32, #tpu.memory_space<vmem>>
      %dma_wait3A_31 = tpu.memref_squeeze %dma_wait3A_30 : memref<1x128xi32, #tpu.memory_space<vmem>> -> memref<128xi32, #tpu.memory_space<vmem>>
      %dma_wait3A_32 = arith.constant 0 : i32
      %dma_wait3A_33 = arith.constant 0 : i32
      %dma_wait3A_34 = tpu.memref_slice %arg8[%dma_wait3A_32, %dma_wait3A_33] : memref<1024x128xf32, #tpu.memory_space<vmem_shared>> -> memref<1024x128xf32, #tpu.memory_space<vmem_shared>>
      tpu.wait_indirect_dma semaphore(%run_scoped3A_24 : memref<!tpu.dma_semaphore, #tpu.memory_space<semaphore_mem>>) src(%arg7 : memref<128x128xf32, #tpu.memory_space<vmem>>) dst(%dma_wait3A_34 : memref<1024x128xf32, #tpu.memory_space<vmem_shared>>)
      tpu.yield
    }) : () -> ()
    %add3A_9 = arith.constant 128 : i32
    %add3A_10 = arith.addi %mul3A_2, %add3A_9 : i32
    "tpu.region"() ({
      %run_scoped3A_24 = tpu.sem_alloc : memref<!tpu.dma_semaphore, #tpu.memory_space<semaphore_mem>>
      %dma_start3A = arith.constant 0 : i32
      %dma_start3A_25 = tpu.memref_slice %arg2[%add3A_10, %dma_start3A] : memref<16384x128xf32, #tpu.memory_space<hbm>> -> memref<128x128xf32, #tpu.memory_space<hbm>>
      %dma_start3A_26 = arith.constant 0 : i32
      %dma_start3A_27 = tpu.memref_slice %arg2[%add3A_10, %dma_start3A_26] : memref<16384x128xf32, #tpu.memory_space<hbm>> -> memref<128x128xf32, #tpu.memory_space<hbm>>
      tpu.enqueue_dma source(%dma_start3A_27 : memref<128x128xf32, #tpu.memory_space<hbm>>) target(%arg7 : memref<128x128xf32, #tpu.memory_space<vmem>>) target_semaphore(%run_scoped3A_24 : memref<!tpu.dma_semaphore, #tpu.memory_space<semaphore_mem>>)
      %dma_wait3A = arith.constant 0 : i32
      %dma_wait3A_28 = tpu.memref_slice %arg2[%add3A_10, %dma_wait3A] : memref<16384x128xf32, #tpu.memory_space<hbm>> -> memref<128x128xf32, #tpu.memory_space<hbm>>
      %dma_wait3A_29 = arith.constant 0 : i32
      %dma_wait3A_30 = tpu.memref_slice %arg2[%add3A_10, %dma_wait3A_29] : memref<16384x128xf32, #tpu.memory_space<hbm>> -> memref<128x128xf32, #tpu.memory_space<hbm>>
      tpu.wait_dma2 semaphore(%run_scoped3A_24 : memref<!tpu.dma_semaphore, #tpu.memory_space<semaphore_mem>>) src(%dma_wait3A_30 : memref<128x128xf32, #tpu.memory_space<hbm>>) dst(%arg7 : memref<128x128xf32, #tpu.memory_space<vmem>>)
      tpu.yield
    }) : () -> ()
    %run_scoped3A_11 = arith.constant 1 : i32
    "tpu.region"() ({
      %run_scoped3A_24 = tpu.sem_alloc : memref<!tpu.dma_semaphore, #tpu.memory_space<semaphore_mem>>
      %dma_start3A = arith.constant 0 : i32
      %dma_start3A_25 = tpu.memref_slice %arg6[%run_scoped3A_11, %dma_start3A] : memref<4x128xi32, #tpu.memory_space<vmem>> -> memref<1x128xi32, #tpu.memory_space<vmem>>
      %dma_start3A_26 = tpu.memref_squeeze %dma_start3A_25 : memref<1x128xi32, #tpu.memory_space<vmem>> -> memref<128xi32, #tpu.memory_space<vmem>>
      %dma_start3A_27 = arith.constant 0 : i32
      %dma_start3A_28 = arith.constant 0 : i32
      %dma_start3A_29 = tpu.memref_slice %arg8[%dma_start3A_27, %dma_start3A_28] : memref<1024x128xf32, #tpu.memory_space<vmem_shared>> -> memref<1024x128xf32, #tpu.memory_space<vmem_shared>>
      tpu.enqueue_indirect_dma source(%arg7 : memref<128x128xf32, #tpu.memory_space<vmem>>) target(%dma_start3A_29 : memref<1024x128xf32, #tpu.memory_space<vmem_shared>>) offsets(%dma_start3A_26 : memref<128xi32, #tpu.memory_space<vmem>>) semaphore(%run_scoped3A_24 : memref<!tpu.dma_semaphore, #tpu.memory_space<semaphore_mem>>) {add = true}
      %dma_wait3A = arith.constant 0 : i32
      %dma_wait3A_30 = tpu.memref_slice %arg6[%run_scoped3A_11, %dma_wait3A] : memref<4x128xi32, #tpu.memory_space<vmem>> -> memref<1x128xi32, #tpu.memory_space<vmem>>
      %dma_wait3A_31 = tpu.memref_squeeze %dma_wait3A_30 : memref<1x128xi32, #tpu.memory_space<vmem>> -> memref<128xi32, #tpu.memory_space<vmem>>
      %dma_wait3A_32 = arith.constant 0 : i32
      %dma_wait3A_33 = arith.constant 0 : i32
      %dma_wait3A_34 = tpu.memref_slice %arg8[%dma_wait3A_32, %dma_wait3A_33] : memref<1024x128xf32, #tpu.memory_space<vmem_shared>> -> memref<1024x128xf32, #tpu.memory_space<vmem_shared>>
      tpu.wait_indirect_dma semaphore(%run_scoped3A_24 : memref<!tpu.dma_semaphore, #tpu.memory_space<semaphore_mem>>) src(%arg7 : memref<128x128xf32, #tpu.memory_space<vmem>>) dst(%dma_wait3A_34 : memref<1024x128xf32, #tpu.memory_space<vmem_shared>>)
      tpu.yield
    }) : () -> ()
    %add3A_12 = arith.constant 256 : i32
    %add3A_13 = arith.addi %mul3A_2, %add3A_12 : i32
    "tpu.region"() ({
      %run_scoped3A_24 = tpu.sem_alloc : memref<!tpu.dma_semaphore, #tpu.memory_space<semaphore_mem>>
      %dma_start3A = arith.constant 0 : i32
      %dma_start3A_25 = tpu.memref_slice %arg2[%add3A_13, %dma_start3A] : memref<16384x128xf32, #tpu.memory_space<hbm>> -> memref<128x128xf32, #tpu.memory_space<hbm>>
      %dma_start3A_26 = arith.constant 0 : i32
      %dma_start3A_27 = tpu.memref_slice %arg2[%add3A_13, %dma_start3A_26] : memref<16384x128xf32, #tpu.memory_space<hbm>> -> memref<128x128xf32, #tpu.memory_space<hbm>>
      tpu.enqueue_dma source(%dma_start3A_27 : memref<128x128xf32, #tpu.memory_space<hbm>>) target(%arg7 : memref<128x128xf32, #tpu.memory_space<vmem>>) target_semaphore(%run_scoped3A_24 : memref<!tpu.dma_semaphore, #tpu.memory_space<semaphore_mem>>)
      %dma_wait3A = arith.constant 0 : i32
      %dma_wait3A_28 = tpu.memref_slice %arg2[%add3A_13, %dma_wait3A] : memref<16384x128xf32, #tpu.memory_space<hbm>> -> memref<128x128xf32, #tpu.memory_space<hbm>>
      %dma_wait3A_29 = arith.constant 0 : i32
      %dma_wait3A_30 = tpu.memref_slice %arg2[%add3A_13, %dma_wait3A_29] : memref<16384x128xf32, #tpu.memory_space<hbm>> -> memref<128x128xf32, #tpu.memory_space<hbm>>
      tpu.wait_dma2 semaphore(%run_scoped3A_24 : memref<!tpu.dma_semaphore, #tpu.memory_space<semaphore_mem>>) src(%dma_wait3A_30 : memref<128x128xf32, #tpu.memory_space<hbm>>) dst(%arg7 : memref<128x128xf32, #tpu.memory_space<vmem>>)
      tpu.yield
    }) : () -> ()
    %run_scoped3A_14 = arith.constant 2 : i32
    "tpu.region"() ({
      %run_scoped3A_24 = tpu.sem_alloc : memref<!tpu.dma_semaphore, #tpu.memory_space<semaphore_mem>>
      %dma_start3A = arith.constant 0 : i32
      %dma_start3A_25 = tpu.memref_slice %arg6[%run_scoped3A_14, %dma_start3A] : memref<4x128xi32, #tpu.memory_space<vmem>> -> memref<1x128xi32, #tpu.memory_space<vmem>>
      %dma_start3A_26 = tpu.memref_squeeze %dma_start3A_25 : memref<1x128xi32, #tpu.memory_space<vmem>> -> memref<128xi32, #tpu.memory_space<vmem>>
      %dma_start3A_27 = arith.constant 0 : i32
      %dma_start3A_28 = arith.constant 0 : i32
      %dma_start3A_29 = tpu.memref_slice %arg8[%dma_start3A_27, %dma_start3A_28] : memref<1024x128xf32, #tpu.memory_space<vmem_shared>> -> memref<1024x128xf32, #tpu.memory_space<vmem_shared>>
      tpu.enqueue_indirect_dma source(%arg7 : memref<128x128xf32, #tpu.memory_space<vmem>>) target(%dma_start3A_29 : memref<1024x128xf32, #tpu.memory_space<vmem_shared>>) offsets(%dma_start3A_26 : memref<128xi32, #tpu.memory_space<vmem>>) semaphore(%run_scoped3A_24 : memref<!tpu.dma_semaphore, #tpu.memory_space<semaphore_mem>>) {add = true}
      %dma_wait3A = arith.constant 0 : i32
      %dma_wait3A_30 = tpu.memref_slice %arg6[%run_scoped3A_14, %dma_wait3A] : memref<4x128xi32, #tpu.memory_space<vmem>> -> memref<1x128xi32, #tpu.memory_space<vmem>>
      %dma_wait3A_31 = tpu.memref_squeeze %dma_wait3A_30 : memref<1x128xi32, #tpu.memory_space<vmem>> -> memref<128xi32, #tpu.memory_space<vmem>>
      %dma_wait3A_32 = arith.constant 0 : i32
      %dma_wait3A_33 = arith.constant 0 : i32
      %dma_wait3A_34 = tpu.memref_slice %arg8[%dma_wait3A_32, %dma_wait3A_33] : memref<1024x128xf32, #tpu.memory_space<vmem_shared>> -> memref<1024x128xf32, #tpu.memory_space<vmem_shared>>
      tpu.wait_indirect_dma semaphore(%run_scoped3A_24 : memref<!tpu.dma_semaphore, #tpu.memory_space<semaphore_mem>>) src(%arg7 : memref<128x128xf32, #tpu.memory_space<vmem>>) dst(%dma_wait3A_34 : memref<1024x128xf32, #tpu.memory_space<vmem_shared>>)
      tpu.yield
    }) : () -> ()
    %add3A_15 = arith.constant 384 : i32
    %add3A_16 = arith.addi %mul3A_2, %add3A_15 : i32
    "tpu.region"() ({
      %run_scoped3A_24 = tpu.sem_alloc : memref<!tpu.dma_semaphore, #tpu.memory_space<semaphore_mem>>
      %dma_start3A = arith.constant 0 : i32
      %dma_start3A_25 = tpu.memref_slice %arg2[%add3A_16, %dma_start3A] : memref<16384x128xf32, #tpu.memory_space<hbm>> -> memref<128x128xf32, #tpu.memory_space<hbm>>
      %dma_start3A_26 = arith.constant 0 : i32
      %dma_start3A_27 = tpu.memref_slice %arg2[%add3A_16, %dma_start3A_26] : memref<16384x128xf32, #tpu.memory_space<hbm>> -> memref<128x128xf32, #tpu.memory_space<hbm>>
      tpu.enqueue_dma source(%dma_start3A_27 : memref<128x128xf32, #tpu.memory_space<hbm>>) target(%arg7 : memref<128x128xf32, #tpu.memory_space<vmem>>) target_semaphore(%run_scoped3A_24 : memref<!tpu.dma_semaphore, #tpu.memory_space<semaphore_mem>>)
      %dma_wait3A = arith.constant 0 : i32
      %dma_wait3A_28 = tpu.memref_slice %arg2[%add3A_16, %dma_wait3A] : memref<16384x128xf32, #tpu.memory_space<hbm>> -> memref<128x128xf32, #tpu.memory_space<hbm>>
      %dma_wait3A_29 = arith.constant 0 : i32
      %dma_wait3A_30 = tpu.memref_slice %arg2[%add3A_16, %dma_wait3A_29] : memref<16384x128xf32, #tpu.memory_space<hbm>> -> memref<128x128xf32, #tpu.memory_space<hbm>>
      tpu.wait_dma2 semaphore(%run_scoped3A_24 : memref<!tpu.dma_semaphore, #tpu.memory_space<semaphore_mem>>) src(%dma_wait3A_30 : memref<128x128xf32, #tpu.memory_space<hbm>>) dst(%arg7 : memref<128x128xf32, #tpu.memory_space<vmem>>)
      tpu.yield
    }) : () -> ()
    %run_scoped3A_17 = arith.constant 3 : i32
    "tpu.region"() ({
      %run_scoped3A_24 = tpu.sem_alloc : memref<!tpu.dma_semaphore, #tpu.memory_space<semaphore_mem>>
      %dma_start3A = arith.constant 0 : i32
      %dma_start3A_25 = tpu.memref_slice %arg6[%run_scoped3A_17, %dma_start3A] : memref<4x128xi32, #tpu.memory_space<vmem>> -> memref<1x128xi32, #tpu.memory_space<vmem>>
      %dma_start3A_26 = tpu.memref_squeeze %dma_start3A_25 : memref<1x128xi32, #tpu.memory_space<vmem>> -> memref<128xi32, #tpu.memory_space<vmem>>
      %dma_start3A_27 = arith.constant 0 : i32
      %dma_start3A_28 = arith.constant 0 : i32
      %dma_start3A_29 = tpu.memref_slice %arg8[%dma_start3A_27, %dma_start3A_28] : memref<1024x128xf32, #tpu.memory_space<vmem_shared>> -> memref<1024x128xf32, #tpu.memory_space<vmem_shared>>
      tpu.enqueue_indirect_dma source(%arg7 : memref<128x128xf32, #tpu.memory_space<vmem>>) target(%dma_start3A_29 : memref<1024x128xf32, #tpu.memory_space<vmem_shared>>) offsets(%dma_start3A_26 : memref<128xi32, #tpu.memory_space<vmem>>) semaphore(%run_scoped3A_24 : memref<!tpu.dma_semaphore, #tpu.memory_space<semaphore_mem>>) {add = true}
      %dma_wait3A = arith.constant 0 : i32
      %dma_wait3A_30 = tpu.memref_slice %arg6[%run_scoped3A_17, %dma_wait3A] : memref<4x128xi32, #tpu.memory_space<vmem>> -> memref<1x128xi32, #tpu.memory_space<vmem>>
      %dma_wait3A_31 = tpu.memref_squeeze %dma_wait3A_30 : memref<1x128xi32, #tpu.memory_space<vmem>> -> memref<128xi32, #tpu.memory_space<vmem>>
      %dma_wait3A_32 = arith.constant 0 : i32
      %dma_wait3A_33 = arith.constant 0 : i32
      %dma_wait3A_34 = tpu.memref_slice %arg8[%dma_wait3A_32, %dma_wait3A_33] : memref<1024x128xf32, #tpu.memory_space<vmem_shared>> -> memref<1024x128xf32, #tpu.memory_space<vmem_shared>>
      tpu.wait_indirect_dma semaphore(%run_scoped3A_24 : memref<!tpu.dma_semaphore, #tpu.memory_space<semaphore_mem>>) src(%arg7 : memref<128x128xf32, #tpu.memory_space<vmem>>) dst(%dma_wait3A_34 : memref<1024x128xf32, #tpu.memory_space<vmem_shared>>)
      tpu.yield
    }) : () -> ()
    %barrier3A_18 = arith.constant 0 : index
    tpu.barrier barrier_id(%barrier3A_18)
    %eq3A_19 = arith.constant 0 : i32
    %eq3A_20 = arith.cmpi eq, %arg1, %eq3A_19 : i32
    %convert_element_type3A_21 = arith.extui %eq3A_20 : i1 to i32
    %cond3A_22 = arith.constant 0 : i32
    %cond3A_23 = arith.cmpi ne, %convert_element_type3A_21, %cond3A_22 : i32
    scf.if %cond3A_23 {
      "tpu.region"() ({
        %run_scoped3A_24 = tpu.sem_alloc : memref<!tpu.dma_semaphore, #tpu.memory_space<semaphore_mem>>
        %dma_start3A = arith.constant 0 : i32
        %dma_start3A_25 = arith.constant 0 : i32
        %dma_start3A_26 = tpu.memref_slice %arg5[%arg0, %dma_start3A, %dma_start3A_25] : memref<2x1024x128xf32, #tpu.memory_space<hbm>> -> memref<1x1024x128xf32, #tpu.memory_space<hbm>>
        %dma_start3A_27 = tpu.memref_squeeze %dma_start3A_26 : memref<1x1024x128xf32, #tpu.memory_space<hbm>> -> memref<1024x128xf32, #tpu.memory_space<hbm>>
        tpu.enqueue_dma source(%arg8 : memref<1024x128xf32, #tpu.memory_space<vmem_shared>>) target(%dma_start3A_27 : memref<1024x128xf32, #tpu.memory_space<hbm>>) target_semaphore(%run_scoped3A_24 : memref<!tpu.dma_semaphore, #tpu.memory_space<semaphore_mem>>)
        %dma_wait3A = arith.constant 0 : i32
        %dma_wait3A_28 = arith.constant 0 : i32
        %dma_wait3A_29 = tpu.memref_slice %arg5[%arg0, %dma_wait3A, %dma_wait3A_28] : memref<2x1024x128xf32, #tpu.memory_space<hbm>> -> memref<1x1024x128xf32, #tpu.memory_space<hbm>>
        %dma_wait3A_30 = tpu.memref_squeeze %dma_wait3A_29 : memref<1x1024x128xf32, #tpu.memory_space<hbm>> -> memref<1024x128xf32, #tpu.memory_space<hbm>>
        tpu.wait_dma2 semaphore(%run_scoped3A_24 : memref<!tpu.dma_semaphore, #tpu.memory_space<semaphore_mem>>) src(%arg8 : memref<1024x128xf32, #tpu.memory_space<vmem_shared>>) dst(%dma_wait3A_30 : memref<1024x128xf32, #tpu.memory_space<hbm>>)
        tpu.yield
      }) : () -> ()
    } else {
    }
    return
  }
}

module attributes {stable_mosaic.version = 14 : i64} {
  func.func @_k1_body(%arg0: i32, %arg1: memref<512x1000xf32, #tpu.memory_space<vmem>>, %arg2: memref<512x1xi32, #tpu.memory_space<vmem>>, %arg3: memref<1x1xf32, #tpu.memory_space<vmem>>, %arg4: memref<1x1024xf32, #tpu.memory_space<vmem>>, %arg5: memref<512x1xf32, #tpu.memory_space<vmem>>) attributes {dimension_semantics = [#tpu.dimension_semantics<arbitrary>], iteration_bounds = array<i64: 32>, scalar_prefetch = 0 : i64, scratch_operands = 1 : i64, tpu.core_type = #tpu.core_type<tc>, window_params = [{transform_indices = @transform_0, window_bounds = array<i64: 512, 1000>}, {transform_indices = @transform_1, window_bounds = array<i64: 512, 1>}, {pipeline_mode = #tpu.pipeline_mode<synchronous>, transform_indices = @transform_2, window_bounds = array<i64: 1, 1>}, {pipeline_mode = #tpu.pipeline_mode<synchronous>, transform_indices = @transform_3, window_bounds = array<i64: 1, 1024>}]} {
    %eq3A = arith.constant 0 : i32
    %eq3A_0 = arith.cmpi eq, %arg0, %eq3A : i32
    %convert_element_type3A = arith.extui %eq3A_0 : i1 to i32
    %cond3A = arith.constant 0 : i32
    %cond3A_1 = arith.cmpi ne, %convert_element_type3A, %cond3A : i32
    scf.if %cond3A_1 {
      %broadcast_in_dim3A_39 = arith.constant 0.000000e+00 : f32
      %broadcast_in_dim3A_40 = vector.broadcast %broadcast_in_dim3A_39 : f32 to vector<512x1xf32>
      %swap3A_41 = arith.constant 0 : index
      %swap3A_42 = arith.constant 0 : index
      %swap3A_43 = vector.load %arg5[%swap3A_41, %swap3A_42] : memref<512x1xf32, #tpu.memory_space<vmem>>, vector<512x1xf32>
      tpu.vector_store %arg5[%swap3A_41, %swap3A_42], %broadcast_in_dim3A_40 {strides = array<i32>} : memref<512x1xf32, #tpu.memory_space<vmem>>, vector<512x1xf32>,
      %broadcast_in_dim3A_44 = arith.constant 0.000000e+00 : f32
      %broadcast_in_dim3A_45 = vector.broadcast %broadcast_in_dim3A_44 : f32 to vector<1x1024xf32>
      %swap3A_46 = arith.constant 0 : index
      %swap3A_47 = arith.constant 0 : index
      %swap3A_48 = vector.load %arg4[%swap3A_46, %swap3A_47] : memref<1x1024xf32, #tpu.memory_space<vmem>>, vector<1x1024xf32>
      tpu.vector_store %arg4[%swap3A_46, %swap3A_47], %broadcast_in_dim3A_45 {strides = array<i32>} : memref<1x1024xf32, #tpu.memory_space<vmem>>, vector<1x1024xf32>,
    } else {
    }
    %get3A = arith.constant 0 : index
    %get3A_2 = arith.constant 0 : index
    %get3A_3 = vector.load %arg2[%get3A, %get3A_2] : memref<512x1xi32, #tpu.memory_space<vmem>>, vector<512x1xi32>
    %get3A_4 = arith.constant 0 : index
    %get3A_5 = arith.constant 0 : index
    %get3A_6 = vector.load %arg1[%get3A_4, %get3A_5] : memref<512x1000xf32, #tpu.memory_space<vmem>>, vector<512x1000xf32>
    %exp3A = math.exp %get3A_6 : vector<512x1000xf32>
    %reduce_sum3A = arith.constant dense<0.000000e+00> : vector<512xf32>
    %reduce_sum3A_7 = vector.multi_reduction <add>, %exp3A, %reduce_sum3A [1] : vector<512x1000xf32> to vector<512xf32>
    %broadcast_in_dim3A = vector.shape_cast %reduce_sum3A_7 : vector<512xf32> to vector<512x1xf32>
    %log3A = math.log %broadcast_in_dim3A : vector<512x1xf32>
    %iota3A = tpu.iota {dimensions = array<i32: 1>} : vector<512x1000xi32>
    %eq3A_8 = vector.broadcast %get3A_3 : vector<512x1xi32> to vector<512x1000xi32>
    %eq3A_9 = arith.cmpi eq, %iota3A, %eq3A_8 : vector<512x1000xi32>
    %jit3A = arith.constant 0.000000e+00 : f32
    %broadcast_in_dim3A_10 = vector.broadcast %jit3A : f32 to vector<512x1000xf32>
    %select_n3A = arith.select %eq3A_9, %get3A_6, %broadcast_in_dim3A_10 : vector<512x1000xi1>, vector<512x1000xf32>
    %reduce_sum3A_11 = arith.constant dense<0.000000e+00> : vector<512xf32>
    %reduce_sum3A_12 = vector.multi_reduction <add>, %select_n3A, %reduce_sum3A_11 [1] : vector<512x1000xf32> to vector<512xf32>
    %broadcast_in_dim3A_13 = vector.shape_cast %reduce_sum3A_12 : vector<512xf32> to vector<512x1xf32>
    %get3A_14 = arith.constant 0 : index
    %get3A_15 = arith.constant 0 : index
    %get3A_16 = vector.load %arg5[%get3A_14, %get3A_15] : memref<512x1xf32, #tpu.memory_space<vmem>>, vector<512x1xf32>
    %sub3A = arith.subf %log3A, %broadcast_in_dim3A_13 : vector<512x1xf32>
    %add3A = arith.addf %get3A_16, %sub3A : vector<512x1xf32>
    %swap3A = arith.constant 0 : index
    %swap3A_17 = arith.constant 0 : index
    %swap3A_18 = vector.load %arg5[%swap3A, %swap3A_17] : memref<512x1xf32, #tpu.memory_space<vmem>>, vector<512x1xf32>
    tpu.vector_store %arg5[%swap3A, %swap3A_17], %add3A {strides = array<i32>} : memref<512x1xf32, #tpu.memory_space<vmem>>, vector<512x1xf32>,
    %iota3A_19 = tpu.iota {dimensions = array<i32: 1>} : vector<512x1024xi32>
    %eq3A_20 = vector.broadcast %get3A_3 : vector<512x1xi32> to vector<512x1024xi32>
    %eq3A_21 = arith.cmpi eq, %iota3A_19, %eq3A_20 : vector<512x1024xi32>
    %convert_element_type3A_22 = arith.extui %eq3A_21 : vector<512x1024xi1> to vector<512x1024xi32>
    %convert_element_type3A_23 = arith.sitofp %convert_element_type3A_22 : vector<512x1024xi32> to vector<512x1024xf32>
    %broadcast_in_dim3A_24 = arith.constant 1.000000e+00 : f32
    %broadcast_in_dim3A_25 = vector.broadcast %broadcast_in_dim3A_24 : f32 to vector<512x1xf32>
    %get3A_26 = arith.constant 0 : index
    %get3A_27 = arith.constant 0 : index
    %get3A_28 = vector.load %arg4[%get3A_26, %get3A_27] : memref<1x1024xf32, #tpu.memory_space<vmem>>, vector<1x1024xf32>
    %dot_general3A = arith.constant dense<0.000000e+00> : vector<1x1024xf32>
    %dot_general3A_29 = tpu.matmul %broadcast_in_dim3A_25, %convert_element_type3A_23, %dot_general3A {dimension_numbers = #tpu.dot_dimension_numbers<[0], [0], [1], [1], [0, 1, 1, 1], [], []>, transpose_lhs_hint = false} : vector<512x1xf32>, vector<512x1024xf32>, vector<1x1024xf32> -> vector<1x1024xf32>
    %add3A_30 = arith.addf %get3A_28, %dot_general3A_29 : vector<1x1024xf32>
    %swap3A_31 = arith.constant 0 : index
    %swap3A_32 = arith.constant 0 : index
    %swap3A_33 = vector.load %arg4[%swap3A_31, %swap3A_32] : memref<1x1024xf32, #tpu.memory_space<vmem>>, vector<1x1024xf32>
    tpu.vector_store %arg4[%swap3A_31, %swap3A_32], %add3A_30 {strides = array<i32>} : memref<1x1024xf32, #tpu.memory_space<vmem>>, vector<1x1024xf32>,
    %eq3A_34 = arith.constant 31 : i32
    %eq3A_35 = arith.cmpi eq, %arg0, %eq3A_34 : i32
    %convert_element_type3A_36 = arith.extui %eq3A_35 : i1 to i32
    %cond3A_37 = arith.constant 0 : i32
    %cond3A_38 = arith.cmpi ne, %convert_element_type3A_36, %cond3A_37 : i32
    scf.if %cond3A_38 {
      %get3A_39 = arith.constant 0 : index
      %get3A_40 = arith.constant 0 : index
      %get3A_41 = vector.load %arg5[%get3A_39, %get3A_40] : memref<512x1xf32, #tpu.memory_space<vmem>>, vector<512x1xf32>
      %reduce_sum3A_42 = vector.shape_cast %get3A_41 : vector<512x1xf32> to vector<1x512x1xf32>
      %reduce_sum3A_43 = arith.constant dense<0.000000e+00> : vector<1xf32>
      %reduce_sum3A_44 = vector.multi_reduction <add>, %reduce_sum3A_42, %reduce_sum3A_43 [1, 2] : vector<1x512x1xf32> to vector<1xf32>
      %reduce_sum3A_45 = vector.shape_cast %reduce_sum3A_44 : vector<1xf32> to vector<1x1x1xf32>
      %reduce_sum3A_46 = vector.extract %reduce_sum3A_45[0, 0, 0] : f32 from vector<1x1x1xf32>
      %reshape3A = vector.broadcast %reduce_sum3A_46 : f32 to vector<1x1xf32>
      %swap3A_47 = arith.constant 0 : index
      %swap3A_48 = arith.constant 0 : index
      %swap3A_49 = vector.load %arg3[%swap3A_47, %swap3A_48] : memref<1x1xf32, #tpu.memory_space<vmem>>, vector<1x1xf32>
      tpu.vector_store %arg3[%swap3A_47, %swap3A_48], %reshape3A {strides = array<i32>} : memref<1x1xf32, #tpu.memory_space<vmem>>, vector<1x1xf32>,
    } else {
    }
    return
  }
  func.func @transform_0(%arg0: i32) -> (i32, i32) {
    %c0_i32 = arith.constant 0 : i32
    %c0_i32_0 = arith.constant 0 : i32
    return %arg0, %c0_i32 : i32, i32
  }
  func.func @transform_1(%arg0: i32) -> (i32, i32) {
    %c0_i32 = arith.constant 0 : i32
    %c0_i32_0 = arith.constant 0 : i32
    return %arg0, %c0_i32 : i32, i32
  }
  func.func @transform_2(%arg0: i32) -> (i32, i32) {
    %c0_i32 = arith.constant 0 : i32
    %c0_i32_0 = arith.constant 0 : i32
    %c0_i32_1 = arith.constant 0 : i32
    return %c0_i32, %c0_i32_0 : i32, i32
  }
  func.func @transform_3(%arg0: i32) -> (i32, i32) {
    %c0_i32 = arith.constant 0 : i32
    %c0_i32_0 = arith.constant 0 : i32
    %c0_i32_1 = arith.constant 0 : i32
    return %c0_i32, %c0_i32_0 : i32, i32
  }
}

module attributes {stable_mosaic.version = 14 : i64} {
  func.func @_k23_body(%arg0: i32, %arg1: memref<2x1024x128xf32, #tpu.memory_space<vmem>>, %arg2: memref<1x1024xf32, #tpu.memory_space<vmem>>, %arg3: memref<1024x128xf32, #tpu.memory_space<vmem>>, %arg4: memref<1x1024xf32, #tpu.memory_space<vmem>>, %arg5: memref<1x1xf32, #tpu.memory_space<vmem>>, %arg6: memref<512x128xf32, #tpu.memory_space<vmem>>, %arg7: memref<512x1xi32, #tpu.memory_space<vmem>>, %arg8: memref<1x1xf32, #tpu.memory_space<vmem>>, %arg9: memref<1x1xf32, #tpu.memory_space<vmem>>, %arg10: memref<1x1xf32, #tpu.memory_space<vmem>>, %arg11: memref<1x1xf32, #tpu.memory_space<vmem>>, %arg12: memref<1x1xf32, #tpu.memory_space<vmem>>, %arg13: memref<1024x128xf32, #tpu.memory_space<vmem>>, %arg14: memref<1024x1xf32, #tpu.memory_space<vmem>>, %arg15: memref<16384x1xf32, #tpu.memory_space<vmem>>, %arg16: memref<1x1024xf32, #tpu.memory_space<vmem>>, %arg17: memref<512x1xf32, #tpu.memory_space<vmem>>, %arg18: memref<512x1xf32, #tpu.memory_space<vmem>>, %arg19: memref<1x1024xf32, #tpu.memory_space<vmem>>) attributes {dimension_semantics = [#tpu.dimension_semantics<arbitrary>], iteration_bounds = array<i64: 64>, scalar_prefetch = 0 : i64, scratch_operands = 7 : i64, tpu.core_type = #tpu.core_type<tc>, window_params = [{pipeline_mode = #tpu.pipeline_mode<synchronous>, transform_indices = @transform_0, window_bounds = array<i64: 2, 1024, 128>}, {pipeline_mode = #tpu.pipeline_mode<synchronous>, transform_indices = @transform_1, window_bounds = array<i64: 1, 1024>}, {pipeline_mode = #tpu.pipeline_mode<synchronous>, transform_indices = @transform_2, window_bounds = array<i64: 1024, 128>}, {pipeline_mode = #tpu.pipeline_mode<synchronous>, transform_indices = @transform_3, window_bounds = array<i64: 1, 1024>}, {pipeline_mode = #tpu.pipeline_mode<synchronous>, transform_indices = @transform_4, window_bounds = array<i64: 1, 1>}, {transform_indices = @transform_5, window_bounds = array<i64: 512, 128>}, {transform_indices = @transform_6, window_bounds = array<i64: 512, 1>}, {pipeline_mode = #tpu.pipeline_mode<synchronous>, transform_indices = @transform_7, window_bounds = array<i64: 1, 1>}, {pipeline_mode = #tpu.pipeline_mode<synchronous>, transform_indices = @transform_8, window_bounds = array<i64: 1, 1>}, {pipeline_mode = #tpu.pipeline_mode<synchronous>, transform_indices = @transform_9, window_bounds = array<i64: 1, 1>}, {pipeline_mode = #tpu.pipeline_mode<synchronous>, transform_indices = @transform_10, window_bounds = array<i64: 1, 1>}, {pipeline_mode = #tpu.pipeline_mode<synchronous>, transform_indices = @transform_11, window_bounds = array<i64: 1, 1>}]} {
    %eq3A = arith.constant 0 : i32
    %eq3A_0 = arith.cmpi eq, %arg0, %eq3A : i32
    %convert_element_type3A = arith.extui %eq3A_0 : i1 to i32
    %cond3A = arith.constant 0 : i32
    %cond3A_1 = arith.cmpi ne, %convert_element_type3A, %cond3A : i32
    scf.if %cond3A_1 {
      %get3A_26 = arith.constant 0 : index
      %get3A_27 = arith.constant 0 : index
      %get3A_28 = vector.load %arg2[%get3A_26, %get3A_27] : memref<1x1024xf32, #tpu.memory_space<vmem>>, vector<1x1024xf32>
      %swap3A = arith.constant 0 : index
      %swap3A_29 = arith.constant 0 : index
      %swap3A_30 = vector.load %arg19[%swap3A, %swap3A_29] : memref<1x1024xf32, #tpu.memory_space<vmem>>, vector<1x1024xf32>
      tpu.vector_store %arg19[%swap3A, %swap3A_29], %get3A_28 {strides = array<i32>} : memref<1x1024xf32, #tpu.memory_space<vmem>>, vector<1x1024xf32>,
      %get3A_31 = arith.constant 0 : index
      %get3A_32 = arith.constant 0 : index
      %get3A_33 = vector.load %arg2[%get3A_31, %get3A_32] : memref<1x1024xf32, #tpu.memory_space<vmem>>, vector<1x1024xf32>
      %reshape3A = vector.shape_cast %get3A_33 : vector<1x1024xf32> to vector<1024x1xf32>
      %gt3A = arith.constant 0.000000e+00 : f32
      %gt3A_34 = vector.broadcast %gt3A : f32 to vector<1024x1xf32>
      %gt3A_35 = arith.cmpf ogt, %reshape3A, %gt3A_34 : vector<1024x1xf32>
      %get3A_36 = arith.constant 0 : index
      %get3A_37 = arith.constant 0 : index
      %get3A_38 = arith.constant 0 : index
      %get3A_39 = vector.load %arg1[%get3A_36, %get3A_37, %get3A_38] : memref<2x1024x128xf32, #tpu.memory_space<vmem>>, vector<1x1024x128xf32>
      %get3A_40 = vector.shape_cast %get3A_39 : vector<1x1024x128xf32> to vector<1024x128xf32>
      %get3A_41 = arith.constant 1 : index
      %get3A_42 = arith.constant 0 : index
      %get3A_43 = arith.constant 0 : index
      %get3A_44 = vector.load %arg1[%get3A_41, %get3A_42, %get3A_43] : memref<2x1024x128xf32, #tpu.memory_space<vmem>>, vector<1x1024x128xf32>
      %get3A_45 = vector.shape_cast %get3A_44 : vector<1x1024x128xf32> to vector<1024x128xf32>
      %add3A = arith.addf %get3A_40, %get3A_45 : vector<1024x128xf32>
      %max3A = arith.constant 1.000000e+00 : f32
      %max3A_46 = vector.broadcast %max3A : f32 to vector<1024x1xf32>
      %max3A_47 = arith.maximumf %reshape3A, %max3A_46 : vector<1024x1xf32>
      %div3A = vector.broadcast %max3A_47 : vector<1024x1xf32> to vector<1024x128xf32>
      %div3A_48 = arith.divf %add3A, %div3A : vector<1024x128xf32>
      %get3A_49 = arith.constant 0 : index
      %get3A_50 = arith.constant 0 : index
      %get3A_51 = vector.load %arg3[%get3A_49, %get3A_50] : memref<1024x128xf32, #tpu.memory_space<vmem>>, vector<1024x128xf32>
      %mul3A = arith.constant 0.899999976 : f32
      %mul3A_52 = vector.broadcast %mul3A : f32 to vector<1024x128xf32>
      %mul3A_53 = arith.mulf %mul3A_52, %get3A_51 : vector<1024x128xf32>
      %mul3A_54 = arith.constant 1.000000e-01 : f32
      %mul3A_55 = vector.broadcast %mul3A_54 : f32 to vector<1024x128xf32>
      %mul3A_56 = arith.mulf %mul3A_55, %div3A_48 : vector<1024x128xf32>
      %add3A_57 = arith.addf %mul3A_53, %mul3A_56 : vector<1024x128xf32>
      %broadcast_in_dim3A = vector.shape_cast %gt3A_35 : vector<1024x1xi1> to vector<1024x1xi1>
      %broadcast_in_dim3A_58 = vector.broadcast %broadcast_in_dim3A : vector<1024x1xi1> to vector<1024x128xi1>
      %select_n3A = arith.select %broadcast_in_dim3A_58, %add3A_57, %get3A_51 : vector<1024x128xi1>, vector<1024x128xf32>
      %swap3A_59 = arith.constant 0 : index
      %swap3A_60 = arith.constant 0 : index
      %swap3A_61 = vector.load %arg13[%swap3A_59, %swap3A_60] : memref<1024x128xf32, #tpu.memory_space<vmem>>, vector<1024x128xf32>
      tpu.vector_store %arg13[%swap3A_59, %swap3A_60], %select_n3A {strides = array<i32>} : memref<1024x128xf32, #tpu.memory_space<vmem>>, vector<1024x128xf32>,
      %broadcast_in_dim3A_62 = arith.constant 0.000000e+00 : f32
      %broadcast_in_dim3A_63 = vector.broadcast %broadcast_in_dim3A_62 : f32 to vector<1x1024xf32>
      %swap3A_64 = arith.constant 0 : index
      %swap3A_65 = arith.constant 0 : index
      %swap3A_66 = vector.load %arg16[%swap3A_64, %swap3A_65] : memref<1x1024xf32, #tpu.memory_space<vmem>>, vector<1x1024xf32>
      tpu.vector_store %arg16[%swap3A_64, %swap3A_65], %broadcast_in_dim3A_63 {strides = array<i32>} : memref<1x1024xf32, #tpu.memory_space<vmem>>, vector<1x1024xf32>,
      %broadcast_in_dim3A_67 = arith.constant 0.000000e+00 : f32
      %broadcast_in_dim3A_68 = vector.broadcast %broadcast_in_dim3A_67 : f32 to vector<512x1xf32>
      %swap3A_69 = arith.constant 0 : index
      %swap3A_70 = arith.constant 0 : index
      %swap3A_71 = vector.load %arg17[%swap3A_69, %swap3A_70] : memref<512x1xf32, #tpu.memory_space<vmem>>, vector<512x1xf32>
      tpu.vector_store %arg17[%swap3A_69, %swap3A_70], %broadcast_in_dim3A_68 {strides = array<i32>} : memref<512x1xf32, #tpu.memory_space<vmem>>, vector<512x1xf32>,
      %broadcast_in_dim3A_72 = arith.constant 0.000000e+00 : f32
      %broadcast_in_dim3A_73 = vector.broadcast %broadcast_in_dim3A_72 : f32 to vector<512x1xf32>
      %swap3A_74 = arith.constant 0 : index
      %swap3A_75 = arith.constant 0 : index
      %swap3A_76 = vector.load %arg18[%swap3A_74, %swap3A_75] : memref<512x1xf32, #tpu.memory_space<vmem>>, vector<512x1xf32>
      tpu.vector_store %arg18[%swap3A_74, %swap3A_75], %broadcast_in_dim3A_73 {strides = array<i32>} : memref<512x1xf32, #tpu.memory_space<vmem>>, vector<512x1xf32>,
    } else {
    }
    %get3A = arith.constant 0 : index
    %get3A_2 = arith.constant 0 : index
    %get3A_3 = vector.load %arg7[%get3A, %get3A_2] : memref<512x1xi32, #tpu.memory_space<vmem>>, vector<512x1xi32>
    %iota3A = tpu.iota {dimensions = array<i32: 1>} : vector<512x1024xi32>
    %eq3A_4 = vector.broadcast %get3A_3 : vector<512x1xi32> to vector<512x1024xi32>
    %eq3A_5 = arith.cmpi eq, %iota3A, %eq3A_4 : vector<512x1024xi32>
    %convert_element_type3A_6 = arith.extui %eq3A_5 : vector<512x1024xi1> to vector<512x1024xi32>
    %convert_element_type3A_7 = arith.sitofp %convert_element_type3A_6 : vector<512x1024xi32> to vector<512x1024xf32>
    %lt3A = arith.constant 32 : i32
    %lt3A_8 = arith.cmpi slt, %arg0, %lt3A : i32
    %convert_element_type3A_9 = arith.extui %lt3A_8 : i1 to i32
    %cond3A_10 = arith.constant 0 : i32
    %cond3A_11 = arith.cmpi ne, %convert_element_type3A_9, %cond3A_10 : i32
    scf.if %cond3A_11 {
      %convert_element_type3A_26 = arith.truncf %convert_element_type3A_7 : vector<512x1024xf32> to vector<512x1024xbf16>
      %get3A_27 = arith.constant 0 : index
      %get3A_28 = arith.constant 0 : index
      %get3A_29 = vector.load %arg13[%get3A_27, %get3A_28] : memref<1024x128xf32, #tpu.memory_space<vmem>>, vector<1024x128xf32>
      %convert_element_type3A_30 = arith.truncf %get3A_29 : vector<1024x128xf32> to vector<1024x128xbf16>
      %dot_general3A = arith.constant dense<0.000000e+00> : vector<512x128xf32>
      %dot_general3A_31 = tpu.matmul %convert_element_type3A_26, %convert_element_type3A_30, %dot_general3A {dimension_numbers = #tpu.dot_dimension_numbers<[1], [0], [0], [1], [0, 0, 1, 1], [], []>, transpose_lhs_hint = false} : vector<512x1024xbf16>, vector<1024x128xbf16>, vector<512x128xf32> -> vector<512x128xf32>
      %get3A_32 = arith.constant 0 : index
      %get3A_33 = arith.constant 0 : index
      %get3A_34 = vector.load %arg6[%get3A_32, %get3A_33] : memref<512x128xf32, #tpu.memory_space<vmem>>, vector<512x128xf32>
      %sub3A = arith.subf %get3A_34, %dot_general3A_31 : vector<512x128xf32>
      %mul3A = arith.mulf %sub3A, %sub3A : vector<512x128xf32>
      %reduce_sum3A = arith.constant dense<0.000000e+00> : vector<512xf32>
      %reduce_sum3A_35 = vector.multi_reduction <add>, %mul3A, %reduce_sum3A [1] : vector<512x128xf32> to vector<512xf32>
      %broadcast_in_dim3A = vector.shape_cast %reduce_sum3A_35 : vector<512xf32> to vector<512x1xf32>
      %sqrt3A = math.sqrt %broadcast_in_dim3A : vector<512x1xf32>
      %mul3A_36 = arith.constant 512 : i32
      %mul3A_37 = arith.muli %arg0, %mul3A_36 : i32
      %swap3A = arith.index_cast %mul3A_37 : i32 to index
      %swap3A_38 = arith.constant 0 : index
      %swap3A_39 = vector.load %arg15[%swap3A, %swap3A_38] : memref<16384x1xf32, #tpu.memory_space<vmem>>, vector<512x1xf32>
      tpu.vector_store %arg15[%swap3A, %swap3A_38], %sqrt3A {strides = array<i32>} : memref<16384x1xf32, #tpu.memory_space<vmem>>, vector<512x1xf32>,
      %get3A_40 = arith.constant 0 : index
      %get3A_41 = arith.constant 0 : index
      %get3A_42 = vector.load %arg16[%get3A_40, %get3A_41] : memref<1x1024xf32, #tpu.memory_space<vmem>>, vector<1x1024xf32>
      %dot_general3A_43 = arith.constant dense<0.000000e+00> : vector<1x1024xf32>
      %dot_general3A_44 = tpu.matmul %sqrt3A, %convert_element_type3A_7, %dot_general3A_43 {dimension_numbers = #tpu.dot_dimension_numbers<[0], [0], [1], [1], [0, 1, 1, 1], [], []>, transpose_lhs_hint = false} : vector<512x1xf32>, vector<512x1024xf32>, vector<1x1024xf32> -> vector<1x1024xf32>
      %add3A = arith.addf %get3A_42, %dot_general3A_44 : vector<1x1024xf32>
      %swap3A_45 = arith.constant 0 : index
      %swap3A_46 = arith.constant 0 : index
      %swap3A_47 = vector.load %arg16[%swap3A_45, %swap3A_46] : memref<1x1024xf32, #tpu.memory_space<vmem>>, vector<1x1024xf32>
      tpu.vector_store %arg16[%swap3A_45, %swap3A_46], %add3A {strides = array<i32>} : memref<1x1024xf32, #tpu.memory_space<vmem>>, vector<1x1024xf32>,
      %get3A_48 = arith.constant 0 : index
      %get3A_49 = arith.constant 0 : index
      %get3A_50 = vector.load %arg17[%get3A_48, %get3A_49] : memref<512x1xf32, #tpu.memory_space<vmem>>, vector<512x1xf32>
      %add3A_51 = arith.addf %get3A_50, %broadcast_in_dim3A : vector<512x1xf32>
      %swap3A_52 = arith.constant 0 : index
      %swap3A_53 = arith.constant 0 : index
      %swap3A_54 = vector.load %arg17[%swap3A_52, %swap3A_53] : memref<512x1xf32, #tpu.memory_space<vmem>>, vector<512x1xf32>
      tpu.vector_store %arg17[%swap3A_52, %swap3A_53], %add3A_51 {strides = array<i32>} : memref<512x1xf32, #tpu.memory_space<vmem>>, vector<512x1xf32>,
    } else {
    }
    %eq3A_12 = arith.constant 32 : i32
    %eq3A_13 = arith.cmpi eq, %arg0, %eq3A_12 : i32
    %convert_element_type3A_14 = arith.extui %eq3A_13 : i1 to i32
    %cond3A_15 = arith.constant 0 : i32
    %cond3A_16 = arith.cmpi ne, %convert_element_type3A_14, %cond3A_15 : i32
    scf.if %cond3A_16 {
      %get3A_26 = arith.constant 0 : index
      %get3A_27 = arith.constant 0 : index
      %get3A_28 = vector.load %arg19[%get3A_26, %get3A_27] : memref<1x1024xf32, #tpu.memory_space<vmem>>, vector<1x1024xf32>
      %gt3A = arith.constant 0.000000e+00 : f32
      %gt3A_29 = vector.broadcast %gt3A : f32 to vector<1x1024xf32>
      %gt3A_30 = arith.cmpf ogt, %get3A_28, %gt3A_29 : vector<1x1024xf32>
      %get3A_31 = arith.constant 0 : index
      %get3A_32 = arith.constant 0 : index
      %get3A_33 = vector.load %arg16[%get3A_31, %get3A_32] : memref<1x1024xf32, #tpu.memory_space<vmem>>, vector<1x1024xf32>
      %max3A = arith.constant 1.000000e+00 : f32
      %max3A_34 = vector.broadcast %max3A : f32 to vector<1x1024xf32>
      %max3A_35 = arith.maximumf %get3A_28, %max3A_34 : vector<1x1024xf32>
      %div3A = arith.divf %get3A_33, %max3A_35 : vector<1x1024xf32>
      %get3A_36 = arith.constant 0 : index
      %get3A_37 = arith.constant 0 : index
      %get3A_38 = vector.load %arg4[%get3A_36, %get3A_37] : memref<1x1024xf32, #tpu.memory_space<vmem>>, vector<1x1024xf32>
      %mul3A = arith.constant 0.899999976 : f32
      %mul3A_39 = vector.broadcast %mul3A : f32 to vector<1x1024xf32>
      %mul3A_40 = arith.mulf %mul3A_39, %get3A_38 : vector<1x1024xf32>
      %mul3A_41 = arith.constant 1.000000e-01 : f32
      %mul3A_42 = vector.broadcast %mul3A_41 : f32 to vector<1x1024xf32>
      %mul3A_43 = arith.mulf %mul3A_42, %div3A : vector<1x1024xf32>
      %add3A = arith.addf %mul3A_40, %mul3A_43 : vector<1x1024xf32>
      %select_n3A = arith.select %gt3A_30, %add3A, %get3A_38 : vector<1x1024xi1>, vector<1x1024xf32>
      %reshape3A = vector.shape_cast %select_n3A : vector<1x1024xf32> to vector<1024x1xf32>
      %swap3A = arith.constant 0 : index
      %swap3A_44 = arith.constant 0 : index
      %swap3A_45 = vector.load %arg14[%swap3A, %swap3A_44] : memref<1024x1xf32, #tpu.memory_space<vmem>>, vector<1024x1xf32>
      tpu.vector_store %arg14[%swap3A, %swap3A_44], %reshape3A {strides = array<i32>} : memref<1024x1xf32, #tpu.memory_space<vmem>>, vector<1024x1xf32>,
      %iota3A_46 = tpu.iota {dimensions = array<i32: 1>} : vector<1x1024xi32>
      %lt3A_47 = arith.constant 1000 : i32
      %lt3A_48 = vector.broadcast %lt3A_47 : i32 to vector<1x1024xi32>
      %lt3A_49 = arith.cmpi slt, %iota3A_46, %lt3A_48 : vector<1x1024xi32>
      %jit3A = arith.constant 0.000000e+00 : f32
      %broadcast_in_dim3A = vector.broadcast %jit3A : f32 to vector<1x1024xf32>
      %select_n3A_50 = arith.select %lt3A_49, %select_n3A, %broadcast_in_dim3A : vector<1x1024xi1>, vector<1x1024xf32>
      %reduce_sum3A = vector.shape_cast %select_n3A_50 : vector<1x1024xf32> to vector<1x1x1024xf32>
      %reduce_sum3A_51 = arith.constant dense<0.000000e+00> : vector<1xf32>
      %reduce_sum3A_52 = vector.multi_reduction <add>, %reduce_sum3A, %reduce_sum3A_51 [1, 2] : vector<1x1x1024xf32> to vector<1xf32>
      %reduce_sum3A_53 = vector.shape_cast %reduce_sum3A_52 : vector<1xf32> to vector<1x1x1xf32>
      %reduce_sum3A_54 = vector.extract %reduce_sum3A_53[0, 0, 0] : f32 from vector<1x1x1xf32>
      %div3A_55 = arith.constant 1.000000e+03 : f32
      %div3A_56 = arith.divf %reduce_sum3A_54, %div3A_55 : f32
      %reshape3A_57 = vector.broadcast %div3A_56 : f32 to vector<1x1xf32>
      %swap3A_58 = arith.constant 0 : index
      %swap3A_59 = arith.constant 0 : index
      %swap3A_60 = vector.load %arg12[%swap3A_58, %swap3A_59] : memref<1x1xf32, #tpu.memory_space<vmem>>, vector<1x1xf32>
      tpu.vector_store %arg12[%swap3A_58, %swap3A_59], %reshape3A_57 {strides = array<i32>} : memref<1x1xf32, #tpu.memory_space<vmem>>, vector<1x1xf32>,
    } else {
    }
    %ge3A = arith.constant 32 : i32
    %ge3A_17 = arith.cmpi sge, %arg0, %ge3A : i32
    %convert_element_type3A_18 = arith.extui %ge3A_17 : i1 to i32
    %cond3A_19 = arith.constant 0 : i32
    %cond3A_20 = arith.cmpi ne, %convert_element_type3A_18, %cond3A_19 : i32
    scf.if %cond3A_20 {
      %sub3A = arith.constant 32 : i32
      %sub3A_26 = arith.subi %arg0, %sub3A : i32
      %get3A_27 = arith.constant 0 : index
      %get3A_28 = arith.constant 0 : index
      %get3A_29 = vector.load %arg14[%get3A_27, %get3A_28] : memref<1024x1xf32, #tpu.memory_space<vmem>>, vector<1024x1xf32>
      %dot_general3A = arith.constant dense<0.000000e+00> : vector<512x1xf32>
      %dot_general3A_30 = tpu.matmul %convert_element_type3A_7, %get3A_29, %dot_general3A {dimension_numbers = #tpu.dot_dimension_numbers<[1], [0], [0], [1], [0, 0, 1, 1], [], []>, transpose_lhs_hint = false} : vector<512x1024xf32>, vector<1024x1xf32>, vector<512x1xf32> -> vector<512x1xf32>
      %add3A = arith.constant 1.000000e-01 : f32
      %add3A_31 = vector.broadcast %add3A : f32 to vector<512x1xf32>
      %add3A_32 = arith.addf %dot_general3A_30, %add3A_31 : vector<512x1xf32>
      %mul3A = arith.constant 512 : i32
      %mul3A_33 = arith.muli %sub3A_26, %mul3A : i32
      %get3A_34 = arith.index_cast %mul3A_33 : i32 to index
      %get3A_35 = arith.constant 0 : index
      %get3A_36 = vector.load %arg15[%get3A_34, %get3A_35] : memref<16384x1xf32, #tpu.memory_space<vmem>>, vector<512x1xf32>
      %sub3A_37 = arith.subf %get3A_36, %add3A_32 : vector<512x1xf32>
      %max3A = arith.constant 0.000000e+00 : f32
      %max3A_38 = vector.broadcast %max3A : f32 to vector<512x1xf32>
      %max3A_39 = arith.maximumf %sub3A_37, %max3A_38 : vector<512x1xf32>
      %get3A_40 = arith.constant 0 : index
      %get3A_41 = arith.constant 0 : index
      %get3A_42 = vector.load %arg18[%get3A_40, %get3A_41] : memref<512x1xf32, #tpu.memory_space<vmem>>, vector<512x1xf32>
      %mul3A_43 = arith.mulf %max3A_39, %max3A_39 : vector<512x1xf32>
      %add3A_44 = arith.addf %get3A_42, %mul3A_43 : vector<512x1xf32>
      %swap3A = arith.constant 0 : index
      %swap3A_45 = arith.constant 0 : index
      %swap3A_46 = vector.load %arg18[%swap3A, %swap3A_45] : memref<512x1xf32, #tpu.memory_space<vmem>>, vector<512x1xf32>
      tpu.vector_store %arg18[%swap3A, %swap3A_45], %add3A_44 {strides = array<i32>} : memref<512x1xf32, #tpu.memory_space<vmem>>, vector<512x1xf32>,
    } else {
    }
    %eq3A_21 = arith.constant 63 : i32
    %eq3A_22 = arith.cmpi eq, %arg0, %eq3A_21 : i32
    %convert_element_type3A_23 = arith.extui %eq3A_22 : i1 to i32
    %cond3A_24 = arith.constant 0 : i32
    %cond3A_25 = arith.cmpi ne, %convert_element_type3A_23, %cond3A_24 : i32
    scf.if %cond3A_25 {
      %get3A_26 = arith.constant 0 : index
      %get3A_27 = arith.constant 0 : index
      %get3A_28 = vector.load %arg5[%get3A_26, %get3A_27] : memref<1x1xf32, #tpu.memory_space<vmem>>, vector<1x1xf32>
      %mul3A = arith.constant 6.10351563E-5 : f32
      %mul3A_29 = vector.broadcast %mul3A : f32 to vector<1x1xf32>
      %mul3A_30 = arith.mulf %get3A_28, %mul3A_29 : vector<1x1xf32>
      %get3A_31 = arith.constant 0 : index
      %get3A_32 = arith.constant 0 : index
      %get3A_33 = vector.load %arg17[%get3A_31, %get3A_32] : memref<512x1xf32, #tpu.memory_space<vmem>>, vector<512x1xf32>
      %reduce_sum3A = vector.shape_cast %get3A_33 : vector<512x1xf32> to vector<1x512x1xf32>
      %reduce_sum3A_34 = arith.constant dense<0.000000e+00> : vector<1xf32>
      %reduce_sum3A_35 = vector.multi_reduction <add>, %reduce_sum3A, %reduce_sum3A_34 [1, 2] : vector<1x512x1xf32> to vector<1xf32>
      %reduce_sum3A_36 = vector.shape_cast %reduce_sum3A_35 : vector<1xf32> to vector<1x1x1xf32>
      %reduce_sum3A_37 = vector.extract %reduce_sum3A_36[0, 0, 0] : f32 from vector<1x1x1xf32>
      %reshape3A = vector.broadcast %reduce_sum3A_37 : f32 to vector<1x1xf32>
      %mul3A_38 = arith.constant 6.10351563E-5 : f32
      %mul3A_39 = vector.broadcast %mul3A_38 : f32 to vector<1x1xf32>
      %mul3A_40 = arith.mulf %reshape3A, %mul3A_39 : vector<1x1xf32>
      %get3A_41 = arith.constant 0 : index
      %get3A_42 = arith.constant 0 : index
      %get3A_43 = vector.load %arg18[%get3A_41, %get3A_42] : memref<512x1xf32, #tpu.memory_space<vmem>>, vector<512x1xf32>
      %reduce_sum3A_44 = vector.shape_cast %get3A_43 : vector<512x1xf32> to vector<1x512x1xf32>
      %reduce_sum3A_45 = arith.constant dense<0.000000e+00> : vector<1xf32>
      %reduce_sum3A_46 = vector.multi_reduction <add>, %reduce_sum3A_44, %reduce_sum3A_45 [1, 2] : vector<1x512x1xf32> to vector<1xf32>
      %reduce_sum3A_47 = vector.shape_cast %reduce_sum3A_46 : vector<1xf32> to vector<1x1x1xf32>
      %reduce_sum3A_48 = vector.extract %reduce_sum3A_47[0, 0, 0] : f32 from vector<1x1x1xf32>
      %reshape3A_49 = vector.broadcast %reduce_sum3A_48 : f32 to vector<1x1xf32>
      %mul3A_50 = arith.constant 6.10351563E-5 : f32
      %mul3A_51 = vector.broadcast %mul3A_50 : f32 to vector<1x1xf32>
      %mul3A_52 = arith.mulf %reshape3A_49, %mul3A_51 : vector<1x1xf32>
      %swap3A = arith.constant 0 : index
      %swap3A_53 = arith.constant 0 : index
      %swap3A_54 = vector.load %arg9[%swap3A, %swap3A_53] : memref<1x1xf32, #tpu.memory_space<vmem>>, vector<1x1xf32>
      tpu.vector_store %arg9[%swap3A, %swap3A_53], %mul3A_30 {strides = array<i32>} : memref<1x1xf32, #tpu.memory_space<vmem>>, vector<1x1xf32>,
      %swap3A_55 = arith.constant 0 : index
      %swap3A_56 = arith.constant 0 : index
      %swap3A_57 = vector.load %arg10[%swap3A_55, %swap3A_56] : memref<1x1xf32, #tpu.memory_space<vmem>>, vector<1x1xf32>
      tpu.vector_store %arg10[%swap3A_55, %swap3A_56], %mul3A_40 {strides = array<i32>} : memref<1x1xf32, #tpu.memory_space<vmem>>, vector<1x1xf32>,
      %swap3A_58 = arith.constant 0 : index
      %swap3A_59 = arith.constant 0 : index
      %swap3A_60 = vector.load %arg11[%swap3A_58, %swap3A_59] : memref<1x1xf32, #tpu.memory_space<vmem>>, vector<1x1xf32>
      tpu.vector_store %arg11[%swap3A_58, %swap3A_59], %mul3A_52 {strides = array<i32>} : memref<1x1xf32, #tpu.memory_space<vmem>>, vector<1x1xf32>,
      %mul3A_61 = arith.constant 1.000000e-01 : f32
      %mul3A_62 = vector.broadcast %mul3A_61 : f32 to vector<1x1xf32>
      %mul3A_63 = arith.mulf %mul3A_62, %mul3A_40 : vector<1x1xf32>
      %add3A = arith.addf %mul3A_30, %mul3A_63 : vector<1x1xf32>
      %mul3A_64 = arith.constant 2.000000e-01 : f32
      %mul3A_65 = vector.broadcast %mul3A_64 : f32 to vector<1x1xf32>
      %mul3A_66 = arith.mulf %mul3A_65, %mul3A_52 : vector<1x1xf32>
      %add3A_67 = arith.addf %add3A, %mul3A_66 : vector<1x1xf32>
      %swap3A_68 = arith.constant 0 : index
      %swap3A_69 = arith.constant 0 : index
      %swap3A_70 = vector.load %arg8[%swap3A_68, %swap3A_69] : memref<1x1xf32, #tpu.memory_space<vmem>>, vector<1x1xf32>
      tpu.vector_store %arg8[%swap3A_68, %swap3A_69], %add3A_67 {strides = array<i32>} : memref<1x1xf32, #tpu.memory_space<vmem>>, vector<1x1xf32>,
    } else {
    }
    return
  }
  func.func @transform_0(%arg0: i32) -> (i32, i32, i32) {
    %c0_i32 = arith.constant 0 : i32
    %c0_i32_0 = arith.constant 0 : i32
    %c0_i32_1 = arith.constant 0 : i32
    %c0_i32_2 = arith.constant 0 : i32
    return %c0_i32, %c0_i32_0, %c0_i32_1 : i32, i32, i32
  }
  func.func @transform_1(%arg0: i32) -> (i32, i32) {
    %c0_i32 = arith.constant 0 : i32
    %c0_i32_0 = arith.constant 0 : i32
    %c0_i32_1 = arith.constant 0 : i32
    return %c0_i32, %c0_i32_0 : i32, i32
  }
  func.func @transform_2(%arg0: i32) -> (i32, i32) {
    %c0_i32 = arith.constant 0 : i32
    %c0_i32_0 = arith.constant 0 : i32
    %c0_i32_1 = arith.constant 0 : i32
    return %c0_i32, %c0_i32_0 : i32, i32
  }
  func.func @transform_3(%arg0: i32) -> (i32, i32) {
    %c0_i32 = arith.constant 0 : i32
    %c0_i32_0 = arith.constant 0 : i32
    %c0_i32_1 = arith.constant 0 : i32
    return %c0_i32, %c0_i32_0 : i32, i32
  }
  func.func @transform_4(%arg0: i32) -> (i32, i32) {
    %c0_i32 = arith.constant 0 : i32
    %c0_i32_0 = arith.constant 0 : i32
    %c0_i32_1 = arith.constant 0 : i32
    return %c0_i32, %c0_i32_0 : i32, i32
  }
  func.func @transform_5(%arg0: i32) -> (i32, i32) {
    %min3A = arith.constant 31 : i32
    %min3A_0 = arith.minsi %arg0, %min3A : i32
    %c0_i32 = arith.constant 0 : i32
    %c0_i32_1 = arith.constant 0 : i32
    return %min3A_0, %c0_i32 : i32, i32
  }
  func.func @transform_6(%arg0: i32) -> (i32, i32) {
    %jit3A = arith.constant 32 : i32
    %eq3A = arith.constant 0 : i32
    %eq3A_0 = arith.cmpi eq, %jit3A, %eq3A : i32
    %jit3A_1 = arith.constant 1 : i32
    %select_n3A = arith.select %eq3A_0, %jit3A_1, %jit3A : i32
    %rem3A = arith.remsi %arg0, %select_n3A : i32
    %ne3A = arith.constant 0 : i32
    %ne3A_2 = arith.cmpi ne, %rem3A, %ne3A : i32
    %lt3A = arith.constant 0 : i32
    %lt3A_3 = arith.cmpi slt, %rem3A, %lt3A : i32
    %lt3A_4 = arith.constant 0 : i32
    %lt3A_5 = arith.cmpi slt, %select_n3A, %lt3A_4 : i32
    %ne3A_6 = arith.xori %lt3A_3, %lt3A_5 : i1
    %and3A = arith.andi %ne3A_6, %ne3A_2 : i1
    %add3A = arith.addi %rem3A, %select_n3A : i32
    %select_n3A_7 = arith.select %and3A, %add3A, %rem3A : i32
    %c0_i32 = arith.constant 0 : i32
    %c0_i32_8 = arith.constant 0 : i32
    return %select_n3A_7, %c0_i32 : i32, i32
  }
  func.func @transform_7(%arg0: i32) -> (i32, i32) {
    %c0_i32 = arith.constant 0 : i32
    %c0_i32_0 = arith.constant 0 : i32
    %c0_i32_1 = arith.constant 0 : i32
    return %c0_i32, %c0_i32_0 : i32, i32
  }
  func.func @transform_8(%arg0: i32) -> (i32, i32) {
    %c0_i32 = arith.constant 0 : i32
    %c0_i32_0 = arith.constant 0 : i32
    %c0_i32_1 = arith.constant 0 : i32
    return %c0_i32, %c0_i32_0 : i32, i32
  }
  func.func @transform_9(%arg0: i32) -> (i32, i32) {
    %c0_i32 = arith.constant 0 : i32
    %c0_i32_0 = arith.constant 0 : i32
    %c0_i32_1 = arith.constant 0 : i32
    return %c0_i32, %c0_i32_0 : i32, i32
  }
  func.func @transform_10(%arg0: i32) -> (i32, i32) {
    %c0_i32 = arith.constant 0 : i32
    %c0_i32_0 = arith.constant 0 : i32
    %c0_i32_1 = arith.constant 0 : i32
    return %c0_i32, %c0_i32_0 : i32, i32
  }
  func.func @transform_11(%arg0: i32) -> (i32, i32) {
    %c0_i32 = arith.constant 0 : i32
    %c0_i32_0 = arith.constant 0 : i32
    %c0_i32_1 = arith.constant 0 : i32
    return %c0_i32, %c0_i32_0 : i32, i32
  }
}

</mosaic_0001>

<sc_bundles>
// kernel: kernel.5.cloned.1.call-start
scs
__scs_entry_jumppad:
0x0: {  	(pc) =	sbr.rel $0x88, $3  }
0x1: {  	(tag) =	ssettag $0x0;
	lr =	simm.s32 $0x1  }
0x2: {  	[smem:$0x3F9C] =	sst lr;
	_ =	strace $0xD0000000  }
0x3: {  	_ = 	snop  }
0x4: {  	_ = 	snop  }
0x5: {  	_ = 	snop  }
0x6: {  	_ = 	snop  }
0x7: {  	_ = 	snop  }
__scs_overlays_trampoline_lowered:
0x8: {  	[smem:$0x3FAB] =	sst s0  }
0x9: {  	[smem:$0x3FAC] =	sst s1  }
0xa: {  	[smem:$0x3FAD] =	sst s2  }
0xb: {  	[smem:$0x3FAE] =	sst s3  }
0xc: {  	[smem:$0x3FAF] =	sst s4  }
0xd: {  	[smem:$0x3FB0] =	sst s5  }
0xe: {  	[smem:$0x3FB1] =	sst s6  }
0xf: {  	[smem:$0x3FB2] =	sst s7  }
0x10: {  	[smem:$0x3FB3] =	sst s8  }
0x11: {  	[smem:$0x3FB4] =	sst s9;
	s0 =	simm.s32 @!p0 $0x0  }
0x12: {  	s1 =	sld [smem:$0x3F9A];
	s0 =	simm.s32 @p0 $0x1  }
0x13: {  	[smem:$0x3FB5] =	sst s0;
	s0 =	simm.s32 @!p1 $0x0  }
0x14: {  	s2 =	sld [smem:$0x3F99];
	s0 =	simm.s32 @p1 $0x1  }
0x15: {  	[smem:$0x3FB6] =	sst s0;
	s0 =	simm.s32 @!p2 $0x0  }
0x16: {  	s3 =	sld [smem:$0x3FDB];
	s0 =	simm.s32 @p2 $0x1  }
0x17: {  	s4 =	simm.s32 $0x1BF5;
	[smem:$0x3FB8] =	sst s0  }
0x18: {  	s0 =	sld [smem:$0x3F9B];
	_ =	swait.ge [sflag:s4], $0x0  }
0x19: {  	s7 =	sld [smem:$0x3F9C]  }
0x1a: {  	s8 =	sadd.s32 $0xFFFFE003, lr  }
0x1b: {  	s9 =	sadd.s32 $0xFFFFFEF7, lr;
	s5 =	simm.s32 $0xFFFFFFFF;
	p2 =	slt.u32 s8, $0xFFFFF086  }
0x1c: {  	p1 =	slt.u32 s9, $0xF7A;
	s5 =	simm.s32 @!p2 $0x0  }
0x1d: {  	s5 =	simm.s32 @p1 $0x1;
	p0 =	seq.s32 s7, s2  }
0x1e: {  	s7 =	smul.u32 @!p0 $0xF7A, s2;
	p2 =	seq.s32 @!p0 s5, $0x0  }
0x1f: {  	s9 =	smul.u32 $0xF7A, s1;
	s8 =	simm.s32 @!p0 $0x1BF5;
	p2 =	por !p2, p0  }
0x20: {  	[sflag:s8] =	ssyncset.s32 @!p0 $0xFFFFF086;
	s6 =	sadd.s32 @!p0 s3, s7;
	s7 =	simm.s32 @!p0 $0x108  }
0x21: {  	s3 =	sadd.s32 s3, s9;
	s6 =	sadd.s32 @!p0 $0x88, s6;
	s7 =	simm.s32 @p2 $0x1082  }
0x22: {  	[simem:s7], [sflag:s8] =	dma.local @!p0 [hbm:s6], $0xF7A  }
0x23: {  	s9 =	sor.u32 $0xD0000000, s2;
	s6 =	simm.s32 $0x108;
	_ =	swait.ge @!p0 [sflag:s8], $0x0  }
0x24: {  	s3 =	sadd.s32 $0x88, s3;
	s6 =	simm.s32 @!p1 $0x1082;
	[sflag:s4] =	ssyncset.s32 $0xFFFFF086  }
0x25: {  	[simem:s6], [sflag:s4] =	dma.local [hbm:s3], $0xF7A  }
0x26: {  	[smem:$0x3F9C] =	sst s1;
	(tag) =	ssettag s2;
	_ =	strace s9  }
0x27: {  	s1 =	sld [smem:$0x3FAC]  }
0x28: {  	s2 =	sld [smem:$0x3FAD]  }
0x29: {  	s4 =	sld [smem:$0x3FAF]  }
0x2a: {  	p0 =	seq.s32 s5, $0x0;
	s5 =	sld [smem:$0x3FB0]  }
0x2b: {  	s6 =	sld [smem:$0x3FB1]  }
0x2c: {  	s7 =	sld [smem:$0x3FB2]  }
0x2d: {  	s3 =	simm.s32 $0x108;
	s8 =	sld [smem:$0x3FB3]  }
0x2e: {  	s3 =	simm.s32 @!p0 $0x1082;
	s9 =	sld [smem:$0x3FB4]  }
0x2f: {  	lr =	sadd.s32 s0, s3;
	s0 =	sld [smem:$0x3FAB]  }
0x30: {  	s3 =	sld [smem:$0x3FAE]  }
0x31: {  	[smem:$0x3FB7] =	sst s10  }
0x32: {  	s10 =	sld [smem:$0x3FB5];
	_ =	sdelay $0x3  }
0x33: {  	p0 =	seq.s32 s10, $0x1;
	s10 =	sld [smem:$0x3FB7];
	_ =	sdelay $0x3  }
0x34: {  	[smem:$0x3FB7] =	sst s10  }
0x35: {  	s10 =	sld [smem:$0x3FB6];
	_ =	sdelay $0x3  }
0x36: {  	p1 =	seq.s32 s10, $0x1;
	s10 =	sld [smem:$0x3FB7];
	_ =	sdelay $0x3  }
0x37: {  	[smem:$0x3FB7] =	sst s10  }
0x38: {  	s10 =	sld [smem:$0x3FB8]  }
0x39: {  	_ = 	snop;
	(pc) =	sbr.ind lr, $3  }
0x3a: {  	_ = 	snop  }
0x3b: {  	_ = 	snop  }
0x3c: {  	p2 =	seq.s32 s10, $0x1;
	s10 =	sld [smem:$0x3FB7]  }
0x3d: {  	_ =	shalt  }
0x3e: {  	_ =	shalt  }
0x3f: {  	_ =	shalt  }
0x40: {  	_ =	shalt  }
0x41: {  	_ =	shalt  }
0x42: {  	_ =	shalt  }
0x43: {  	_ =	shalt  }
0x44: {  	_ =	shalt  }
0x45: {  	_ =	shalt  }
0x46: {  	_ =	shalt  }
0x47: {  	_ =	shalt  }
0x48: {  	_ =	shalt  }
0x49: {  	_ =	shalt  }
0x4a: {  	_ =	shalt  }
0x4b: {  	_ =	shalt  }
0x4c: {  	_ =	shalt  }
0x4d: {  	_ =	shalt  }
0x4e: {  	_ =	shalt  }
0x4f: {  	_ =	shalt  }
0x50: {  	_ =	shalt  }
0x51: {  	_ =	shalt  }
0x52: {  	_ =	shalt  }
0x53: {  	_ =	shalt  }
0x54: {  	_ =	shalt  }
0x55: {  	_ =	shalt  }
0x56: {  	_ =	shalt  }
0x57: {  	_ =	shalt  }
0x58: {  	_ =	shalt  }
0x59: {  	_ =	shalt  }
0x5a: {  	_ =	shalt  }
0x5b: {  	_ =	shalt  }
0x5c: {  	_ =	shalt  }
0x5d: {  	_ =	shalt  }
0x5e: {  	_ =	shalt  }
0x5f: {  	_ =	shalt  }
0x60: {  	_ =	shalt  }
0x61: {  	_ =	shalt  }
0x62: {  	_ =	shalt  }
0x63: {  	_ =	shalt  }
0x64: {  	_ =	shalt  }
0x65: {  	_ =	shalt  }
0x66: {  	_ =	shalt  }
0x67: {  	_ =	shalt  }
0x68: {  	_ =	shalt  }
0x69: {  	_ =	shalt  }
0x6a: {  	_ =	shalt  }
0x6b: {  	_ =	shalt  }
0x6c: {  	_ =	shalt  }
0x6d: {  	_ =	shalt  }
0x6e: {  	_ =	shalt  }
0x6f: {  	_ =	shalt  }
0x70: {  	_ =	shalt  }
0x71: {  	_ =	shalt  }
0x72: {  	_ =	shalt  }
0x73: {  	_ =	shalt  }
0x74: {  	_ =	shalt  }
0x75: {  	_ =	shalt  }
0x76: {  	_ =	shalt  }
0x77: {  	_ =	shalt  }
0x78: {  	_ =	shalt  }
0x79: {  	_ =	shalt  }
0x7a: {  	_ =	shalt  }
0x7b: {  	_ =	shalt  }
0x7c: {  	_ =	shalt  }
0x7d: {  	_ =	shalt  }
0x7e: {  	_ =	shalt  }
0x7f: {  	_ =	shalt  }
0x80: {  	_ =	shalt  }
0x81: {  	_ =	shalt  }
0x82: {  	_ =	shalt  }
0x83: {  	_ =	shalt  }
0x84: {  	_ =	shalt  }
0x85: {  	_ =	shalt  }
0x86: {  	_ =	shalt  }
0x87: {  	_ =	shalt  }
.Lfunc_end0:
.L_simem_size_0:
called_computation_lowered:
.L_overlay_start_0:
0x88: {  	s2 =	sld [smem:$0x3FD9]  }
0x89: {  	s3 =	sld [smem:$0x3FFE];
	_ =	sdelay $0x1  }
0x8a: {  	s1 =	srdreg.scid  }
0x8b: {  	s0 =	sand.u32 $0x1, s1  }
0x8c: {  	s17 =	sshll.u32 s0, $0xA;
	s2 =	sadd.s32 s3, s2  }
0x8d: {  	s2 =	sadd.s32 s2, s17  }
0x8e: {  	[smem:$0x3FC3] =	sst s2  }
0x8f: {  	_ = 	snop  }
0x90: {  	s2 =	sld [smem:$0x3FC9]  }
0x91: {  	s18 =	sld [smem:$0x3FC7];
	(tm) =	ssettm $0x1  }
0x92: {  	s4 =	sld [smem:$0x3FFB];
	_ =	sdelay $0x3  }
0x93: {  	_ =	strace s4  }
0x94: {  	s4 =	sld [smem:$0x3FFC];
	_ =	sdelay $0x3  }
0x95: {  	_ =	strace s4  }
0x96: {  	s4 =	sld [smem:$0x3FFD];
	_ =	sdelay $0x3  }
0x97: {  	_ =	strace s4  }
0x98: {  	_ =	strace $0x8FFFFFFF  }
0x99: {  	s19 =	sld [smem:$0x3FDB];
	_ =	sdelay $0x1  }
0x9a: {  	s5 =	simm.s32 $_scs_section_size  }
0x9b: {  	s6 =	simm.s32 $_size__tile_overlayer_lowered;
	s7 =	simm.s32 $_tile_overlayer_lowered  }
0x9c: {  	s22 =	simm.s32 $0x1BFF;
	s21 =	sshll.u32 s7, $0x1;
	s4 =	sadd.s32 s5, s19  }
0x9d: {  	s8 =	simm.s32 $0x0;
	s20 =	sshll.u32 s6, $0x1;
	s6 =	sadd.s32 s21, s4  }
0x9e: {  	[timem:s8], [sflag:s22] =	dma.local [hbm:s6], s20  }
0x9f: {  	_ =	swait.ge [sflag:s22], s20  }
0xa0: {  	s5 =	ssub.s32 $0x0, s20;
	[sflag:s22] =	ssyncset.done $0x0  }
0xa1: {  	[sflag:s22] =	ssyncadd.s32 s5;
	_ =	sdelay $0x1  }
0xa2: {  	s23 =	simm.s32 $0x1B8B  }
0xa3: {  	_ =	swait.ge [sflag:s23], $0x1  }
0xa4: {  	[sflag:s23] =	ssyncset.done $0x0  }
0xa5: {  	s25 =	simm.s32 $0x1B8E;
	s24 =	sld [smem:$0x3FFE];
	[sflag:s23] =	ssyncadd.s32 $0xFFFFFFFF  }
0xa6: {  	s26 =	simm.s32 $execute0_lowered;
	[smem:$0x3FD2] =	sst s25  }
0xa7: {  	s6 =	sshll.u32 s26, $0x1;
	_ =	strace $0x80000046;
	[dreg:$0x1] =	wrdreg $0xFFFFFFFF  }
0xa8: {  	s28 =	simm.s32 $_size_execute0_lowered;
	s4 =	sadd.s32 s4, s6;
	[dreg:$0x0] =	wrdreg $0x0  }
0xa9: {  	s6 =	sshll.u32 s28, $0x1;
	[dreg:$0x2] =	wrdreg s4  }
0xaa: {  	[dreg:$0x3] =	wrdreg s6  }
0xab: {  	[dreg:$0x4] =	wrdreg $0xC0  }
0xac: {  	_ =	task [dreg:s8], $0x5FFFF  }
0xad: {  	[dreg:$0x1] =	wrdreg $0xFFFFFFFF  }
0xae: {  	[dreg:$0x0] =	wrdreg $0x60  }
0xaf: {  	[dreg:$0x2] =	wrdreg s2  }
0xb0: {  	[dreg:$0x3] =	wrdreg s18  }
0xb1: {  	[dreg:$0x4] =	wrdreg s24  }
0xb2: {  	[dreg:$0x5] =	wrdreg $0x42000  }
0xb3: {  	[dreg:$0x6] =	wrdreg $0x9  }
0xb4: {  	_ =	task.clear_ibuf [dreg:s8], $0x7FFFF;
	_ =	strace $0x90000046  }
0xb5: {  	s29 =	simm.s32 $0x9;
	_ =	strace $0x80000048  }
0xb6: {  	_ =	swait.ge [sflag:s29], $0x1  }
0xb7: {  	[sflag:s29] =	ssyncadd.s32 $0xFFFFFFFF  }
0xb8: {  	_ =	strace $0x90000048  }
0xb9: {  	_ =	sfence  }
0xba: {  	s30 =	sld [smem:$0x0];
	_ =	sdelay $0x2  }
0xbb: {  	s31 =	sshll.u32 s1, $0xD;
	s1 =	sshrl.u32 s1, $0x2  }
0xbc: {  	s3 =	sand.u32 $0x4000, s31;
	s1 =	sadd.s32 s1, s30  }
0xbd: {  	s0 =	sor.u32 s3, s0;
	s1 =	sshll.u32 s1, $0x11  }
0xbe: {  	s0 =	sor.u32 s1, s0  }
0xbf: {  	s0 =	sadd.s32 $0x8F2B, s0  }
0xc0: {  	[sflag:s0] =	ssyncadd.remote.s32 $0x1  }
0xc1: {  	_ =	sfence.sel $0xFFFF  }
0xc2: {  	[dreg:$0x0] =	wrdreg $0xFFFFFFFF;
	(pc) =	sbr.abs _section_cstart, $3  }
0xc3: {  	[dreg:$0x1] =	wrdreg $0xFFFFFFFF  }
0xc4: {  	_ =	task.clear_ibuf [dreg:s8], $0x2FFFF;
	_ =	strace $0x9FFFFFFF  }
0xc5: {  	(tm) =	ssettm $0x7FFFFFFF  }
tec
execute0_lowered:
.L_overlay_start_1:
0x0: {  	(tag) =	ssettag $0x1  }
0x1: {  	s9 =	rddreg [dreg:$0x0]  }
0x2: {  	s3 =	rddreg [dreg:$0x1]  }
0x3: {  	s17 =	rddreg [dreg:$0x2]  }
0x4: {  	s1 =	rddreg [dreg:$0x3];
	s2 =	srdreg.scid  }
0x5: {  	s0 =	rddreg [dreg:$0x4];
	s18 =	sand.u32 $0x1, s2  }
0x6: {  	s10 =	stileid.u32;
	s2 =	simm.s32 $0x0;
	s4 =	sshll.u32 s18, $0x6  }
0x7: {  	s5 =	sshll.u32 s10, $0x7;
	[smem:$0x7FF] =	sst s2;
	s3 =	sadd.s32 s3, s4  }
0x8: {  	_ =	strace $0x80000047;
	s4 =	simm.s32 $0x1;
	s3 =	sadd.s32 s5, s3  }
0x9: {  	[tilespmem:s2], [sflag:$0x1] =	stream.linear.gather [hbm4b:s3+s2], $0x200, $0x38;
	[tilespmem:$0x6200] =	vst v63  }
0xa: {  	p0 =	sne.s32 s10, $0x0;
	_ =	swait.ge [sflag:s4], $0x200  }
0xb: {  	s7 =	sshrl.u32 @!p0 s1, $0x3;
	s8 =	simm.s32 @!p0 $0x1C01;
	[sflag:s4] =	ssyncset.done $0x0  }
0xc: {  	s6 =	simm.s32 @!p0 $0x1;
	s5 =	sadd.s32 $0x1600, s17;
	[sflag:s4] =	ssyncadd.s32 $0xFFFFFE00  }
0xd: {  	[spmem:s7], [sflag:s8] =	dma.local @!p0 [hbm:s5], $0x4000  }
0xe: {  	_ =	swait.ge @!p0 [sflag:s6], $0x4000  }
0xf: {  	s10 =	sshll.u32 s10, $0xE;
	s11 =	sshll.u32 s18, $0xD;
	[sflag:s6] =	ssyncset.done @!p0 $0x0  }
0x10: {  	s10 =	sor.u32 s11, s10;
	[sflag:s6] =	ssyncadd.s32 @!p0 $0xFFFFC000  }
0x11: {  	s9 =	sadd.s32 s9, s10;
	s10 =	simm.s32 $0x200;
	[bflag:$0x0] =	sbarrier.arrive $0xFFFF  }
0x12: {  	[tilespmem:s10], [sflag:$0x1] =	stream.linear.gather [hbm4b:s9+s2], $0x4000, $0x38;
	[tilespmem:$0x6200] =	vst v63  }
0x13: {  	_ =	swait.ge [sflag:s4], $0x4000  }
0x14: {  	[sflag:s4] =	ssyncset.done $0x0  }
0x15: {  	s11 =	simm.s32 $0x80;
	[sflag:s4] =	ssyncadd.s32 $0xFFFFC000  }
0x16: {  	[spmem:s1] =	stream.indirect.scatter.add.f32 [tilespmem:s10], [sflag:$0x1], $0x80, s2, s11, $0xb8;
	[tilespmem:$0x6200] =	vst v63  }
0x17: {  	_ =	swait.ge [sflag:s4], $0x4000  }
0x18: {  	[sflag:s4] =	ssyncset.done $0x0  }
0x19: {  	s12 =	sadd.s32 $0x800, s9;
	[sflag:s4] =	ssyncadd.s32 $0xFFFFC000  }
0x1a: {  	[tilespmem:s10], [sflag:$0x1] =	stream.linear.gather [hbm4b:s12+s2], $0x4000, $0x38;
	[tilespmem:$0x6200] =	vst v63  }
0x1b: {  	_ =	swait.ge [sflag:s4], $0x4000  }
0x1c: {  	[sflag:s4] =	ssyncset.done $0x0  }
0x1d: {  	[sflag:s4] =	ssyncadd.s32 $0xFFFFC000  }
0x1e: {  	[spmem:s1] =	stream.indirect.scatter.add.f32 [tilespmem:s10], [sflag:$0x1], $0x80, s11, s11, $0xb8;
	[tilespmem:$0x6200] =	vst v63  }
0x1f: {  	_ =	swait.ge [sflag:s4], $0x4000  }
0x20: {  	[sflag:s4] =	ssyncset.done $0x0  }
0x21: {  	s13 =	sadd.s32 $0x1000, s9;
	[sflag:s4] =	ssyncadd.s32 $0xFFFFC000  }
0x22: {  	[tilespmem:s10], [sflag:$0x1] =	stream.linear.gather [hbm4b:s13+s2], $0x4000, $0x38;
	[tilespmem:$0x6200] =	vst v63  }
0x23: {  	_ =	swait.ge [sflag:s4], $0x4000  }
0x24: {  	[sflag:s4] =	ssyncset.done $0x0  }
0x25: {  	s14 =	simm.s32 $0x100;
	[sflag:s4] =	ssyncadd.s32 $0xFFFFC000  }
0x26: {  	[spmem:s1] =	stream.indirect.scatter.add.f32 [tilespmem:s10], [sflag:$0x1], $0x80, s14, s11, $0xb8;
	[tilespmem:$0x6200] =	vst v63  }
0x27: {  	_ =	swait.ge [sflag:s4], $0x4000  }
0x28: {  	[sflag:s4] =	ssyncset.done $0x0  }
0x29: {  	s19 =	ssub.s32 $0x2, s18;
	s15 =	sadd.s32 $0x1800, s9;
	[sflag:s4] =	ssyncadd.s32 $0xFFFFC000  }
0x2a: {  	[tilespmem:s10], [sflag:$0x1] =	stream.linear.gather [hbm4b:s15+s2], $0x4000, $0x38;
	[tilespmem:$0x6200] =	vst v63  }
0x2b: {  	s20 =	sshrl.u32 s19, $0x1;
	_ =	swait.ge [sflag:s4], $0x4000  }
0x2c: {  	s16 =	simm.s32 $0x180;
	s19 =	ssub.s32 s19, s20;
	[sflag:s4] =	ssyncset.done $0x0  }
0x2d: {  	s18 =	sshll.u32 s18, $0xE;
	s31 =	smax.u32 s19, $0x1;
	[sflag:s4] =	ssyncadd.s32 $0xFFFFC000  }
0x2e: {  	[spmem:s1] =	stream.indirect.scatter.add.f32 [tilespmem:s10], [sflag:$0x1], $0x80, s16, s11, $0xb8;
	[tilespmem:$0x6200] =	vst v63  }
0x2f: {  	s17 =	sadd.s32 s18, s17;
	s18 =	sadd.s32 $0xFFFFFFFF, s31;
	_ =	swait.ge [sflag:s4], $0x4000  }
0x30: {  	p1 =	sne.s32 s18, $0x0;
	[sflag:s4] =	ssyncset.done $0x0  }
.Ltmp0:
0x31: {  	[sflag:s4] =	ssyncadd.s32 $0xFFFFC000;
	(pc) =	sbr.rel @!p1 .LBB2_2-.Ltmp0, $4  }
0x32: {  	s17 =	sadd.s32 $0x5600, s17;
	[bflag:$0x0] =	sbarrier.arrive $0xFFFF  }
0x33: {  	[hbm:s17], [sflag:s8] =	dma.local @!p0 [spmem:s7], $0x4000  }
0x34: {  	_ =	swait.ge @!p0 [sflag:s6], $0x4000  }
0x35: {  	[sflag:s6] =	ssyncset.done @!p0 $0x0  }
.LBB2_1:
0x36: {  	s18 =	sadd.s32 $0xFFFFFFFF, s18;
	[sflag:s6] =	ssyncadd.s32 @!p0 $0xFFFFC000  }
0x37: {  	[tilespmem:s2], [sflag:$0x1] =	stream.linear.gather [hbm4b:s3+s2], $0x200, $0x38;
	[tilespmem:$0x6200] =	vst v63  }
0x38: {  	p1 =	sne.s32 s18, $0x0;
	_ =	swait.ge [sflag:s4], $0x200  }
0x39: {  	[sflag:s4] =	ssyncset.done $0x0  }
0x3a: {  	[sflag:s4] =	ssyncadd.s32 $0xFFFFFE00  }
0x3b: {  	[spmem:s7], [sflag:s8] =	dma.local @!p0 [hbm:s5], $0x4000  }
0x3c: {  	_ =	swait.ge @!p0 [sflag:s6], $0x4000  }
0x3d: {  	[sflag:s6] =	ssyncset.done @!p0 $0x0  }
0x3e: {  	[sflag:s6] =	ssyncadd.s32 @!p0 $0xFFFFC000  }
0x3f: {  	[bflag:$0x0] =	sbarrier.arrive $0xFFFF  }
0x40: {  	[tilespmem:s10], [sflag:$0x1] =	stream.linear.gather [hbm4b:s9+s2], $0x4000, $0x38;
	[tilespmem:$0x6200] =	vst v63  }
0x41: {  	_ =	swait.ge [sflag:s4], $0x4000  }
0x42: {  	[sflag:s4] =	ssyncset.done $0x0  }
0x43: {  	[sflag:s4] =	ssyncadd.s32 $0xFFFFC000  }
0x44: {  	[spmem:s1] =	stream.indirect.scatter.add.f32 [tilespmem:s10], [sflag:$0x1], $0x80, s2, s11, $0xb8;
	[tilespmem:$0x6200] =	vst v63  }
0x45: {  	_ =	swait.ge [sflag:s4], $0x4000  }
0x46: {  	[sflag:s4] =	ssyncset.done $0x0  }
0x47: {  	[sflag:s4] =	ssyncadd.s32 $0xFFFFC000  }
0x48: {  	[tilespmem:s10], [sflag:$0x1] =	stream.linear.gather [hbm4b:s12+s2], $0x4000, $0x38;
	[tilespmem:$0x6200] =	vst v63  }
0x49: {  	_ =	swait.ge [sflag:s4], $0x4000  }
0x4a: {  	[sflag:s4] =	ssyncset.done $0x0  }
0x4b: {  	[sflag:s4] =	ssyncadd.s32 $0xFFFFC000  }
0x4c: {  	[spmem:s1] =	stream.indirect.scatter.add.f32 [tilespmem:s10], [sflag:$0x1], $0x80, s11, s11, $0xb8;
	[tilespmem:$0x6200] =	vst v63  }
0x4d: {  	_ =	swait.ge [sflag:s4], $0x4000  }
0x4e: {  	[sflag:s4] =	ssyncset.done $0x0  }
0x4f: {  	[sflag:s4] =	ssyncadd.s32 $0xFFFFC000  }
0x50: {  	[tilespmem:s10], [sflag:$0x1] =	stream.linear.gather [hbm4b:s13+s2], $0x4000, $0x38;
	[tilespmem:$0x6200] =	vst v63  }
0x51: {  	_ =	swait.ge [sflag:s4], $0x4000  }
0x52: {  	[sflag:s4] =	ssyncset.done $0x0  }
0x53: {  	[sflag:s4] =	ssyncadd.s32 $0xFFFFC000  }
0x54: {  	[spmem:s1] =	stream.indirect.scatter.add.f32 [tilespmem:s10], [sflag:$0x1], $0x80, s14, s11, $0xb8;
	[tilespmem:$0x6200] =	vst v63  }
0x55: {  	_ =	swait.ge [sflag:s4], $0x4000  }
0x56: {  	[sflag:s4] =	ssyncset.done $0x0  }
0x57: {  	[sflag:s4] =	ssyncadd.s32 $0xFFFFC000  }
0x58: {  	[tilespmem:s10], [sflag:$0x1] =	stream.linear.gather [hbm4b:s15+s2], $0x4000, $0x38;
	[tilespmem:$0x6200] =	vst v63  }
0x59: {  	_ =	swait.ge [sflag:s4], $0x4000  }
0x5a: {  	[sflag:s4] =	ssyncset.done $0x0  }
0x5b: {  	[sflag:s4] =	ssyncadd.s32 $0xFFFFC000  }
0x5c: {  	[spmem:s1] =	stream.indirect.scatter.add.f32 [tilespmem:s10], [sflag:$0x1], $0x80, s16, s11, $0xb8;
	[tilespmem:$0x6200] =	vst v63  }
0x5d: {  	_ =	swait.ge [sflag:s4], $0x4000  }
0x5e: {  	[sflag:s4] =	ssyncset.done $0x0  }
.Ltmp1:
0x5f: {  	[sflag:s4] =	ssyncadd.s32 $0xFFFFC000;
	(pc) =	sbr.rel @p1 .LBB2_1-.Ltmp1, $4  }
0x60: {  	[bflag:$0x0] =	sbarrier.arrive $0xFFFF  }
0x61: {  	[hbm:s17], [sflag:s8] =	dma.local @!p0 [spmem:s7], $0x4000  }
0x62: {  	_ =	swait.ge @!p0 [sflag:s6], $0x4000  }
0x63: {  	[sflag:s6] =	ssyncset.done @!p0 $0x0  }
.LBB2_2:
0x64: {  	[sflag:s6] =	ssyncadd.s32 @!p0 $0xFFFFC000  }
0x65: {  	_ =	sfence.sel $0x180000  }
0x66: {  	[bflag:$0x0] =	sbarrier.arrive $0xFFFF  }
0x67: {  	_ =	strace $0x90000047  }
0x68: {  	s0 =	sadd.s32 @!p0 $0x100000, s0;
	[bflag:$0x2] =	sbarrier.arrive $0xFFFF  }
0x69: {  	[sflag:s0] =	ssyncadd.tile.s32 @!p0 $0x1;
	_ =	shalt  }
.Lfunc_end2:
_tile_overlayer_lowered:
.L_overlay_start_2:
0x6a: {  	(tag) =	ssettag $0x2  }
0x6b: {  	s0 =	rddreg [dreg:$0x0];
	s2 =	stileid.u32  }
0x6c: {  	s1 =	rddreg [dreg:$0x1];
	p0 =	sne.s32 s2, $0x0  }
0x6d: {  	s3 =	rddreg [dreg:$0x2];
	[bflag:$0x3] =	sbarrier.arrive $0xFFFF;
	s2 =	simm.s32 @!p0 $0x1C01  }
0x6e: {  	[timem:s3], [sflag:s2] =	dma.local @!p0 [hbm:s0], s1  }
0x6f: {  	s0 =	simm.s32 @!p0 $0x1  }
0x70: {  	_ =	swait.ge @!p0 [sflag:s0], s1  }
0x71: {  	s1 =	ssub.s32 @!p0 $0x0, s1;
	[sflag:s0] =	ssyncset.done @!p0 $0x0  }
0x72: {  	[sflag:s0] =	ssyncadd.s32 @!p0 s1  }
0x73: {  	[bflag:$0x3] =	sbarrier.arrive $0xFFFF  }
0x74: {  	_ =	shalt  }

</sc_bundles>
